<compile_context>
chip_gen: v7x
topology: tpu7x:2x2x1
jax: 0.10.2.dev20260603
libtpu: 0.0.44.dev20260713+nightly
codegen_flags: <defaults>
</compile_context>

<pallas_src>
import functools

import jax
import jax.numpy as jnp
from jax import lax
from jax.experimental import pallas as pl
from jax.experimental.pallas import tpu as pltpu
from jax.experimental.pallas import tpu_sc as plsc

_MAX_OBJ = 100
_IOU_THRES = 0.45
_SCORE_THRES = 0.25
_MAX_WH = 640.0
_NEG_INF = float("-inf")
_BIG_I32 = 2**30
_ROWL = 16


def _preproc_kernel(x_ref, scr_o, nx1_o, ny1_o, nx2_o, ny2_o, *, NCLS):
    cx = x_ref[0, 0]
    cy = x_ref[0, 1]
    w = x_ref[0, 2]
    h = x_ref[0, 3]
    conf = x_ref[0, 4]

    cxr = cx.astype(jnp.bfloat16).astype(jnp.float32)
    cyr = cy.astype(jnp.bfloat16).astype(jnp.float32)
    wr = w.astype(jnp.bfloat16).astype(jnp.float32)
    hr = h.astype(jnp.bfloat16).astype(jnp.float32)
    bx1 = cxr - 0.5 * wr
    by1 = cyr - 0.5 * hr
    bx2 = cxr + 0.5 * wr
    by2 = cyr + 0.5 * hr

    sc0 = x_ref[0, 5] * conf

    def cls_body(c, carry):
        msc, cat = carry
        sc = x_ref[0, 5 + c] * conf
        cat = jnp.where(sc > msc, c, cat)
        msc = jnp.maximum(msc, sc)
        return msc, cat

    msc, cat = lax.fori_loop(1, NCLS, cls_body,
                             (sc0, jnp.zeros_like(sc0, jnp.int32)))
    catf = cat.astype(jnp.float32)

    nx1 = bx1 + catf * _MAX_WH
    ny1 = by1 + catf * _MAX_WH
    nx2 = bx2 + catf * _MAX_WH
    ny2 = by2 + catf * _MAX_WH

    scr_o[0] = jnp.where(msc > _SCORE_THRES, msc, _NEG_INF)
    nx1_o[0] = nx1
    ny1_o[0] = ny1
    nx2_o[0] = nx2
    ny2_o[0] = ny2


def _xlane_reduce(v, op):
    lanes = lax.iota(jnp.int32, 16)
    for k in (1, 2, 4, 8):
        v = op(v, v.at[lanes ^ k].get(mode="promise_in_bounds"))
    return v


def _sc_nms_kernel(scr_h, nx1_h, ny1_h, nx2_h, ny2_h, out_h,
                   scr_v, x1_v, y1_v, x2_v, y2_v, rows_v,
                   *, B, NP):
    wid = lax.axis_index("s") * 2 + lax.axis_index("c")
    CH = NP // 16
    lanes = lax.iota(jnp.int32, 16)

    @pl.when(wid < B)
    def _run():
        b = wid
        bf = b.astype(jnp.float32)
        pltpu.sync_copy(scr_h.at[b], scr_v)
        pltpu.sync_copy(nx1_h.at[b], x1_v)
        pltpu.sync_copy(ny1_h.at[b], y1_v)
        pltpu.sync_copy(nx2_h.at[b], x2_v)
        pltpu.sync_copy(ny2_h.at[b], y2_v)

        neg = jnp.full((16,), _NEG_INF, jnp.float32)
        big_i = jnp.full((16,), _BIG_I32, jnp.int32)

        def _amax_upd(news, c, vm, vi):
            better = (news > vm) | ((news == vm) & (c < vi))
            return jnp.where(better, news, vm), jnp.where(better, c, vi)

        def scan0_body(c, carry):
            vm, vi = carry
            s = scr_v[pl.ds(c * 16, 16)]
            return _amax_upd(s, c, vm, vi)

        vmax, vidxc = plsc.parallel_loop(
            0, CH, 1, unroll=4, carry=(neg, big_i))(scan0_body)

        def pick_body(i, carry):
            vm, vi = carry
            m = _xlane_reduce(vm, jnp.maximum)[0]
            ok = m > _NEG_INF
            cand = jnp.where(vm == m, vi * 16 + lanes, _BIG_I32)
            j = _xlane_reduce(cand, jnp.minimum)[0]

            cj16 = (j // 16) * 16
            jl = jnp.broadcast_to(j & 15, (16,))

            def splat_at(arr_ref):
                v = arr_ref[pl.ds(cj16, 16)]
                return v.at[jl].get(mode="promise_in_bounds")

            x1j = splat_at(x1_v)
            y1j = splat_at(y1_v)
            x2j = splat_at(x2_v)
            y2j = splat_at(y2_v)
            a1 = (x2j - x1j) * (y2j - y1j)

            c0 = ((x1j + 0.5) / _MAX_WH).astype(jnp.int32).astype(jnp.float32)
            r0 = x1j - c0 * _MAX_WH
            catf = c0 + jnp.where(r0 < -320.0, -1.0,
                                  jnp.where(r0 > 320.0, 1.0, 0.0))
            off = catf * _MAX_WH
            scorej = jnp.where(ok, m, 0.0)
            okf = jnp.where(ok, 1.0, 0.0)
            row = jnp.where(lanes == 0, bf,
                  jnp.where(lanes == 1, x1j - off,
                  jnp.where(lanes == 2, y1j - off,
                  jnp.where(lanes == 3, x2j - off,
                  jnp.where(lanes == 4, y2j - off,
                  jnp.where(lanes == 5, catf,
                  jnp.where(lanes == 6, scorej, 0.0))))))) * okf
            rows_v[pl.ds(i * _ROWL, 16)] = row

            sj = scr_v[pl.ds(cj16, 16)]
            scr_v[pl.ds(cj16, 16)] = jnp.where(lanes == (j & 15),
                                               _NEG_INF, sj)

            def chunk_body(c, carry2):
                vm2, vi2 = carry2
                for u in range(4):
                    cu = c + u
                    ds = pl.ds(cu * 16, 16)
                    s = scr_v[ds]
                    x1 = x1_v[ds]
                    y1 = y1_v[ds]
                    x2 = x2_v[ds]
                    y2 = y2_v[ds]
                    a2 = (x2 - x1) * (y2 - y1)
                    xx1 = jnp.maximum(x1j, x1)
                    yy1 = jnp.maximum(y1j, y1)
                    xx2 = jnp.minimum(x2j, x2)
                    yy2 = jnp.minimum(y2j, y2)
                    inter = (jnp.maximum(xx2 - xx1, 0.0)
                             * jnp.maximum(yy2 - yy1, 0.0))
                    den = a1 + a2 - inter + 1e-9
                    y0 = 1.0 / den
                    y1 = y0 * (2.0 - den * y0)
                    iou = inter * y1
                    news = jnp.where(iou > _IOU_THRES, neg, s)
                    scr_v[ds] = news
                    vm2, vi2 = _amax_upd(news, cu, vm2, vi2)
                return vm2, vi2

            return plsc.parallel_loop(
                0, CH, 4, unroll=2, carry=(neg, big_i))(chunk_body)

        lax.fori_loop(0, _MAX_OBJ, pick_body, (vmax, vidxc))
        pltpu.sync_copy(rows_v, out_h.at[b])


@jax.jit
def kernel(x):
    B, N, C = x.shape
    R = (N + 127) // 128
    NP = R * 128
    NCLS = C - 5

    xp = jnp.pad(x, ((0, 0), (0, NP - N), (0, 0)))
    xt = xp.transpose(0, 2, 1).reshape(B, C, R, 128)

    slab = jax.ShapeDtypeStruct((B, R, 128), jnp.float32)
    ospec = pl.BlockSpec((1, R, 128), lambda b: (b, 0, 0))
    slabs = pl.pallas_call(
        functools.partial(_preproc_kernel, NCLS=NCLS),
        grid=(B,),
        in_specs=[pl.BlockSpec((1, C, R, 128), lambda b: (b, 0, 0, 0))],
        out_specs=[ospec] * 5,
        out_shape=[slab] * 5,
        compiler_params=pltpu.CompilerParams(
            dimension_semantics=("arbitrary",)),
    )(xt)
    scr, nx1, ny1, nx2, ny2 = [s.reshape(B, NP) for s in slabs]

    mesh = plsc.VectorSubcoreMesh(core_axis_name="c", subcore_axis_name="s")
    sc_nms = functools.partial(
        pl.kernel,
        mesh=mesh,
        out_type=jax.ShapeDtypeStruct((B, _MAX_OBJ * _ROWL), jnp.float32),
        scratch_types=[pltpu.VMEM((NP,), jnp.float32)] * 5
        + [pltpu.VMEM((_MAX_OBJ * _ROWL,), jnp.float32)],
    )(functools.partial(_sc_nms_kernel, B=B, NP=NP))

    out = sc_nms(scr, nx1, ny1, nx2, ny2)
    return out.reshape(B * _MAX_OBJ, _ROWL)[:, :7]

# --- scband reference (transcript-rebuilt; emitter-appended) ---
"""Pipeline reference for scband-end2-end-36240934043984 (READ-ONLY COPY).

The authoritative reference and input builder live on the scoring server;
editing this copy changes nothing except your own understanding.
"""

import jax, jax.numpy as jnp
import numpy as np

MAX_OBJ = 100
IOU_THRES = 0.45
SCORE_THRES = 0.25
MAX_WH = 640.0


def setup_inputs(seed: int = 0) -> dict:
    key = jax.random.key(seed)
    x = jax.random.uniform(key, (16, 20000, 85), dtype=jnp.float32)
    return {"x": x}


def _iou_one_vs_all(box, boxes):
    x1 = jnp.maximum(box[0], boxes[:, 0])
    y1 = jnp.maximum(box[1], boxes[:, 1])
    x2 = jnp.minimum(box[2], boxes[:, 2])
    y2 = jnp.minimum(box[3], boxes[:, 3])
    inter = jnp.clip(x2 - x1, 0.0) * jnp.clip(y2 - y1, 0.0)
    a1 = (box[2] - box[0]) * (box[3] - box[1])
    a2 = (boxes[:, 2] - boxes[:, 0]) * (boxes[:, 3] - boxes[:, 1])
    return inter / (a1 + a2 - inter + 1e-9)


def _nms_single(nmsbox, scores):
    scr0 = jnp.where(scores > SCORE_THRES, scores, -jnp.inf)
    idxs0 = jnp.zeros((MAX_OBJ,), jnp.int32)
    valid0 = jnp.zeros((MAX_OBJ,), jnp.bool_)

    def body(i, carry):
        scr, idxs, valid = carry
        j = jnp.argmax(scr).astype(jnp.int32)
        ok = scr[j] > -jnp.inf
        idxs = idxs.at[i].set(j)
        valid = valid.at[i].set(ok)
        ious = _iou_one_vs_all(nmsbox[j], nmsbox)
        scr = jnp.where(ious > IOU_THRES, -jnp.inf, scr)
        scr = scr.at[j].set(-jnp.inf)
        return (scr, idxs, valid)

    _, idxs, valid = jax.lax.fori_loop(0, MAX_OBJ, body, (scr0, idxs0, valid0))
    return idxs, valid


def _forward(x):
    convert = jnp.array(
        [[1.0, 0.0, 1.0, 0.0],
         [0.0, 1.0, 0.0, 1.0],
         [-0.5, 0.0, 0.5, 0.0],
         [0.0, -0.5, 0.0, 0.5]], dtype=jnp.float32)
    boxes = x[:, :, :4] @ convert
    conf = x[:, :, 4:5]
    scores = x[:, :, 5:] * conf
    max_score = jnp.max(scores, axis=2)
    category = jnp.argmax(scores, axis=2)
    nmsbox = boxes + category[..., None].astype(jnp.float32) * MAX_WH
    idxs, valid = jax.vmap(_nms_single)(
        jax.lax.stop_gradient(nmsbox), jax.lax.stop_gradient(max_score))
    B = x.shape[0]
    batch_ids = jnp.broadcast_to(jnp.arange(B)[:, None], idxs.shape)
    sel_boxes = boxes[batch_ids, idxs]
    sel_cat = category[batch_ids, idxs].astype(jnp.float32)[..., None]
    sel_score = max_score[batch_ids, idxs][..., None]
    xcol = batch_ids.astype(jnp.float32)[..., None]
    out = jnp.concatenate([xcol, sel_boxes, sel_cat, sel_score], axis=-1)
    out = out * valid[..., None].astype(jnp.float32)
    return out.reshape(B * MAX_OBJ, 7)


def reference(x):
    return _forward(x)

if __name__ == "__main__":
    import jax
    _d = setup_inputs()
    print(jax.jit(kernel)(*tuple(_d.values())))

</pallas_src>

<mosaic_0001>
#map = affine_map<(d0, d1) -> (0, 0)>
module attributes {stable_mosaic.version = 14 : i64} {
  func.func @_sc_nms_kernel(%arg0: i32, %arg1: i32, %arg2: memref<16x20096xf32, #tpu.memory_space<hbm>>, %arg3: memref<16x20096xf32, #tpu.memory_space<hbm>>, %arg4: memref<16x20096xf32, #tpu.memory_space<hbm>>, %arg5: memref<16x20096xf32, #tpu.memory_space<hbm>>, %arg6: memref<16x20096xf32, #tpu.memory_space<hbm>>, %arg7: memref<16x1600xf32, #tpu.memory_space<hbm>>, %arg8: memref<20096xf32, #tpu.memory_space<vmem>>, %arg9: memref<20096xf32, #tpu.memory_space<vmem>>, %arg10: memref<20096xf32, #tpu.memory_space<vmem>>, %arg11: memref<20096xf32, #tpu.memory_space<vmem>>, %arg12: memref<20096xf32, #tpu.memory_space<vmem>>, %arg13: memref<1600xf32, #tpu.memory_space<vmem>>) attributes {dimension_semantics = [#tpu.dimension_semantics<core_parallel>, #tpu.dimension_semantics<subcore_parallel>], iteration_bounds = array<i64: 2, 16>, scalar_prefetch = 0 : i64, scratch_operands = 6 : i64, tpu.core_type = #tpu.core_type<sc_vector_subcore>, window_params = [{transform_indices = #map}, {transform_indices = #map}, {transform_indices = #map}, {transform_indices = #map}, {transform_indices = #map}, {transform_indices = #map}]} {
    %mul3A = arith.constant 2 : i32
    %mul3A_0 = arith.muli %arg1, %mul3A : i32
    %add3A = arith.addi %mul3A_0, %arg0 : i32
    %iota3A = tpu.iota {dimensions = array<i32: 0>} : vector<16xi32>
    %lt3A = arith.constant 16 : i32
    %lt3A_1 = arith.cmpi slt, %add3A, %lt3A : i32
    %convert_element_type3A = arith.extui %lt3A_1 : i1 to i32
    %cond3A = arith.constant 0 : i32
    %cond3A_2 = arith.cmpi ne, %convert_element_type3A, %cond3A : i32
    scf.if %cond3A_2 {
      %convert_element_type3A_3 = arith.sitofp %add3A : i32 to f32
      "tpu.region"() ({
        %run_scoped3A = tpu.sem_alloc : memref<!tpu.dma_semaphore, #tpu.memory_space<semaphore_mem>>
        %dma_start3A = arith.constant 0 : i32
        %dma_start3A_15 = tpu.memref_slice %arg2[%add3A, %dma_start3A] : memref<16x20096xf32, #tpu.memory_space<hbm>> -> memref<1x20096xf32, #tpu.memory_space<hbm>>
        %dma_start3A_16 = tpu.memref_squeeze %dma_start3A_15 : memref<1x20096xf32, #tpu.memory_space<hbm>> -> memref<20096xf32, #tpu.memory_space<hbm>>
        %dma_start3A_17 = arith.constant 0 : i32
        %dma_start3A_18 = tpu.memref_slice %arg2[%add3A, %dma_start3A_17] : memref<16x20096xf32, #tpu.memory_space<hbm>> -> memref<1x20096xf32, #tpu.memory_space<hbm>>
        %dma_start3A_19 = tpu.memref_squeeze %dma_start3A_18 : memref<1x20096xf32, #tpu.memory_space<hbm>> -> memref<20096xf32, #tpu.memory_space<hbm>>
        tpu.enqueue_dma source(%dma_start3A_19 : memref<20096xf32, #tpu.memory_space<hbm>>) target(%arg8 : memref<20096xf32, #tpu.memory_space<vmem>>) target_semaphore(%run_scoped3A : memref<!tpu.dma_semaphore, #tpu.memory_space<semaphore_mem>>)
        %dma_wait3A = arith.constant 0 : i32
        %dma_wait3A_20 = tpu.memref_slice %arg2[%add3A, %dma_wait3A] : memref<16x20096xf32, #tpu.memory_space<hbm>> -> memref<1x20096xf32, #tpu.memory_space<hbm>>
        %dma_wait3A_21 = tpu.memref_squeeze %dma_wait3A_20 : memref<1x20096xf32, #tpu.memory_space<hbm>> -> memref<20096xf32, #tpu.memory_space<hbm>>
        %dma_wait3A_22 = arith.constant 0 : i32
        %dma_wait3A_23 = tpu.memref_slice %arg2[%add3A, %dma_wait3A_22] : memref<16x20096xf32, #tpu.memory_space<hbm>> -> memref<1x20096xf32, #tpu.memory_space<hbm>>
        %dma_wait3A_24 = tpu.memref_squeeze %dma_wait3A_23 : memref<1x20096xf32, #tpu.memory_space<hbm>> -> memref<20096xf32, #tpu.memory_space<hbm>>
        tpu.wait_dma2 semaphore(%run_scoped3A : memref<!tpu.dma_semaphore, #tpu.memory_space<semaphore_mem>>) src(%dma_wait3A_24 : memref<20096xf32, #tpu.memory_space<hbm>>) dst(%arg8 : memref<20096xf32, #tpu.memory_space<vmem>>)
        tpu.yield
      }) : () -> ()
      "tpu.region"() ({
        %run_scoped3A = tpu.sem_alloc : memref<!tpu.dma_semaphore, #tpu.memory_space<semaphore_mem>>
        %dma_start3A = arith.constant 0 : i32
        %dma_start3A_15 = tpu.memref_slice %arg3[%add3A, %dma_start3A] : memref<16x20096xf32, #tpu.memory_space<hbm>> -> memref<1x20096xf32, #tpu.memory_space<hbm>>
        %dma_start3A_16 = tpu.memref_squeeze %dma_start3A_15 : memref<1x20096xf32, #tpu.memory_space<hbm>> -> memref<20096xf32, #tpu.memory_space<hbm>>
        %dma_start3A_17 = arith.constant 0 : i32
        %dma_start3A_18 = tpu.memref_slice %arg3[%add3A, %dma_start3A_17] : memref<16x20096xf32, #tpu.memory_space<hbm>> -> memref<1x20096xf32, #tpu.memory_space<hbm>>
        %dma_start3A_19 = tpu.memref_squeeze %dma_start3A_18 : memref<1x20096xf32, #tpu.memory_space<hbm>> -> memref<20096xf32, #tpu.memory_space<hbm>>
        tpu.enqueue_dma source(%dma_start3A_19 : memref<20096xf32, #tpu.memory_space<hbm>>) target(%arg9 : memref<20096xf32, #tpu.memory_space<vmem>>) target_semaphore(%run_scoped3A : memref<!tpu.dma_semaphore, #tpu.memory_space<semaphore_mem>>)
        %dma_wait3A = arith.constant 0 : i32
        %dma_wait3A_20 = tpu.memref_slice %arg3[%add3A, %dma_wait3A] : memref<16x20096xf32, #tpu.memory_space<hbm>> -> memref<1x20096xf32, #tpu.memory_space<hbm>>
        %dma_wait3A_21 = tpu.memref_squeeze %dma_wait3A_20 : memref<1x20096xf32, #tpu.memory_space<hbm>> -> memref<20096xf32, #tpu.memory_space<hbm>>
        %dma_wait3A_22 = arith.constant 0 : i32
        %dma_wait3A_23 = tpu.memref_slice %arg3[%add3A, %dma_wait3A_22] : memref<16x20096xf32, #tpu.memory_space<hbm>> -> memref<1x20096xf32, #tpu.memory_space<hbm>>
        %dma_wait3A_24 = tpu.memref_squeeze %dma_wait3A_23 : memref<1x20096xf32, #tpu.memory_space<hbm>> -> memref<20096xf32, #tpu.memory_space<hbm>>
        tpu.wait_dma2 semaphore(%run_scoped3A : memref<!tpu.dma_semaphore, #tpu.memory_space<semaphore_mem>>) src(%dma_wait3A_24 : memref<20096xf32, #tpu.memory_space<hbm>>) dst(%arg9 : memref<20096xf32, #tpu.memory_space<vmem>>)
        tpu.yield
      }) : () -> ()
      "tpu.region"() ({
        %run_scoped3A = tpu.sem_alloc : memref<!tpu.dma_semaphore, #tpu.memory_space<semaphore_mem>>
        %dma_start3A = arith.constant 0 : i32
        %dma_start3A_15 = tpu.memref_slice %arg4[%add3A, %dma_start3A] : memref<16x20096xf32, #tpu.memory_space<hbm>> -> memref<1x20096xf32, #tpu.memory_space<hbm>>
        %dma_start3A_16 = tpu.memref_squeeze %dma_start3A_15 : memref<1x20096xf32, #tpu.memory_space<hbm>> -> memref<20096xf32, #tpu.memory_space<hbm>>
        %dma_start3A_17 = arith.constant 0 : i32
        %dma_start3A_18 = tpu.memref_slice %arg4[%add3A, %dma_start3A_17] : memref<16x20096xf32, #tpu.memory_space<hbm>> -> memref<1x20096xf32, #tpu.memory_space<hbm>>
        %dma_start3A_19 = tpu.memref_squeeze %dma_start3A_18 : memref<1x20096xf32, #tpu.memory_space<hbm>> -> memref<20096xf32, #tpu.memory_space<hbm>>
        tpu.enqueue_dma source(%dma_start3A_19 : memref<20096xf32, #tpu.memory_space<hbm>>) target(%arg10 : memref<20096xf32, #tpu.memory_space<vmem>>) target_semaphore(%run_scoped3A : memref<!tpu.dma_semaphore, #tpu.memory_space<semaphore_mem>>)
        %dma_wait3A = arith.constant 0 : i32
        %dma_wait3A_20 = tpu.memref_slice %arg4[%add3A, %dma_wait3A] : memref<16x20096xf32, #tpu.memory_space<hbm>> -> memref<1x20096xf32, #tpu.memory_space<hbm>>
        %dma_wait3A_21 = tpu.memref_squeeze %dma_wait3A_20 : memref<1x20096xf32, #tpu.memory_space<hbm>> -> memref<20096xf32, #tpu.memory_space<hbm>>
        %dma_wait3A_22 = arith.constant 0 : i32
        %dma_wait3A_23 = tpu.memref_slice %arg4[%add3A, %dma_wait3A_22] : memref<16x20096xf32, #tpu.memory_space<hbm>> -> memref<1x20096xf32, #tpu.memory_space<hbm>>
        %dma_wait3A_24 = tpu.memref_squeeze %dma_wait3A_23 : memref<1x20096xf32, #tpu.memory_space<hbm>> -> memref<20096xf32, #tpu.memory_space<hbm>>
        tpu.wait_dma2 semaphore(%run_scoped3A : memref<!tpu.dma_semaphore, #tpu.memory_space<semaphore_mem>>) src(%dma_wait3A_24 : memref<20096xf32, #tpu.memory_space<hbm>>) dst(%arg10 : memref<20096xf32, #tpu.memory_space<vmem>>)
        tpu.yield
      }) : () -> ()
      "tpu.region"() ({
        %run_scoped3A = tpu.sem_alloc : memref<!tpu.dma_semaphore, #tpu.memory_space<semaphore_mem>>
        %dma_start3A = arith.constant 0 : i32
        %dma_start3A_15 = tpu.memref_slice %arg5[%add3A, %dma_start3A] : memref<16x20096xf32, #tpu.memory_space<hbm>> -> memref<1x20096xf32, #tpu.memory_space<hbm>>
        %dma_start3A_16 = tpu.memref_squeeze %dma_start3A_15 : memref<1x20096xf32, #tpu.memory_space<hbm>> -> memref<20096xf32, #tpu.memory_space<hbm>>
        %dma_start3A_17 = arith.constant 0 : i32
        %dma_start3A_18 = tpu.memref_slice %arg5[%add3A, %dma_start3A_17] : memref<16x20096xf32, #tpu.memory_space<hbm>> -> memref<1x20096xf32, #tpu.memory_space<hbm>>
        %dma_start3A_19 = tpu.memref_squeeze %dma_start3A_18 : memref<1x20096xf32, #tpu.memory_space<hbm>> -> memref<20096xf32, #tpu.memory_space<hbm>>
        tpu.enqueue_dma source(%dma_start3A_19 : memref<20096xf32, #tpu.memory_space<hbm>>) target(%arg11 : memref<20096xf32, #tpu.memory_space<vmem>>) target_semaphore(%run_scoped3A : memref<!tpu.dma_semaphore, #tpu.memory_space<semaphore_mem>>)
        %dma_wait3A = arith.constant 0 : i32
        %dma_wait3A_20 = tpu.memref_slice %arg5[%add3A, %dma_wait3A] : memref<16x20096xf32, #tpu.memory_space<hbm>> -> memref<1x20096xf32, #tpu.memory_space<hbm>>
        %dma_wait3A_21 = tpu.memref_squeeze %dma_wait3A_20 : memref<1x20096xf32, #tpu.memory_space<hbm>> -> memref<20096xf32, #tpu.memory_space<hbm>>
        %dma_wait3A_22 = arith.constant 0 : i32
        %dma_wait3A_23 = tpu.memref_slice %arg5[%add3A, %dma_wait3A_22] : memref<16x20096xf32, #tpu.memory_space<hbm>> -> memref<1x20096xf32, #tpu.memory_space<hbm>>
        %dma_wait3A_24 = tpu.memref_squeeze %dma_wait3A_23 : memref<1x20096xf32, #tpu.memory_space<hbm>> -> memref<20096xf32, #tpu.memory_space<hbm>>
        tpu.wait_dma2 semaphore(%run_scoped3A : memref<!tpu.dma_semaphore, #tpu.memory_space<semaphore_mem>>) src(%dma_wait3A_24 : memref<20096xf32, #tpu.memory_space<hbm>>) dst(%arg11 : memref<20096xf32, #tpu.memory_space<vmem>>)
        tpu.yield
      }) : () -> ()
      "tpu.region"() ({
        %run_scoped3A = tpu.sem_alloc : memref<!tpu.dma_semaphore, #tpu.memory_space<semaphore_mem>>
        %dma_start3A = arith.constant 0 : i32
        %dma_start3A_15 = tpu.memref_slice %arg6[%add3A, %dma_start3A] : memref<16x20096xf32, #tpu.memory_space<hbm>> -> memref<1x20096xf32, #tpu.memory_space<hbm>>
        %dma_start3A_16 = tpu.memref_squeeze %dma_start3A_15 : memref<1x20096xf32, #tpu.memory_space<hbm>> -> memref<20096xf32, #tpu.memory_space<hbm>>
        %dma_start3A_17 = arith.constant 0 : i32
        %dma_start3A_18 = tpu.memref_slice %arg6[%add3A, %dma_start3A_17] : memref<16x20096xf32, #tpu.memory_space<hbm>> -> memref<1x20096xf32, #tpu.memory_space<hbm>>
        %dma_start3A_19 = tpu.memref_squeeze %dma_start3A_18 : memref<1x20096xf32, #tpu.memory_space<hbm>> -> memref<20096xf32, #tpu.memory_space<hbm>>
        tpu.enqueue_dma source(%dma_start3A_19 : memref<20096xf32, #tpu.memory_space<hbm>>) target(%arg12 : memref<20096xf32, #tpu.memory_space<vmem>>) target_semaphore(%run_scoped3A : memref<!tpu.dma_semaphore, #tpu.memory_space<semaphore_mem>>)
        %dma_wait3A = arith.constant 0 : i32
        %dma_wait3A_20 = tpu.memref_slice %arg6[%add3A, %dma_wait3A] : memref<16x20096xf32, #tpu.memory_space<hbm>> -> memref<1x20096xf32, #tpu.memory_space<hbm>>
        %dma_wait3A_21 = tpu.memref_squeeze %dma_wait3A_20 : memref<1x20096xf32, #tpu.memory_space<hbm>> -> memref<20096xf32, #tpu.memory_space<hbm>>
        %dma_wait3A_22 = arith.constant 0 : i32
        %dma_wait3A_23 = tpu.memref_slice %arg6[%add3A, %dma_wait3A_22] : memref<16x20096xf32, #tpu.memory_space<hbm>> -> memref<1x20096xf32, #tpu.memory_space<hbm>>
        %dma_wait3A_24 = tpu.memref_squeeze %dma_wait3A_23 : memref<1x20096xf32, #tpu.memory_space<hbm>> -> memref<20096xf32, #tpu.memory_space<hbm>>
        tpu.wait_dma2 semaphore(%run_scoped3A : memref<!tpu.dma_semaphore, #tpu.memory_space<semaphore_mem>>) src(%dma_wait3A_24 : memref<20096xf32, #tpu.memory_space<hbm>>) dst(%arg12 : memref<20096xf32, #tpu.memory_space<vmem>>)
        tpu.yield
      }) : () -> ()
      %broadcast_in_dim3A = arith.constant 0xFF800000 : f32
      %broadcast_in_dim3A_4 = vector.broadcast %broadcast_in_dim3A : f32 to vector<16xf32>
      %broadcast_in_dim3A_5 = arith.constant 1073741824 : i32
      %broadcast_in_dim3A_6 = vector.broadcast %broadcast_in_dim3A_5 : i32 to vector<16xi32>
      %parallel_loop3A = arith.constant 0 : i32
      %parallel_loop3A_7 = arith.constant 1256 : i32
      %parallel_loop3A_8 = arith.constant 1 : i32
      %parallel_loop3A_9:2 = scf.for %parallel_loop3A_15 = %parallel_loop3A to %parallel_loop3A_7 step %parallel_loop3A_8 iter_args(%parallel_loop3A_16 = %broadcast_in_dim3A_4, %parallel_loop3A_17 = %broadcast_in_dim3A_6) -> (vector<16xf32>, vector<16xi32>)  : i32 {
        %parallel_loop3A_18 = arith.constant 16 : i32
        %parallel_loop3A_19 = arith.muli %parallel_loop3A_15, %parallel_loop3A_18 : i32
        %parallel_loop3A_20 = arith.index_cast %parallel_loop3A_19 : i32 to index
        %parallel_loop3A_21 = tpu.vector_load %arg8[%parallel_loop3A_20] {strides = array<i32>} : memref<20096xf32, #tpu.memory_space<vmem>>, vector<16xf32>,
        %parallel_loop3A_22 = vector.shape_cast %parallel_loop3A_21 : vector<16xf32> to vector<16xf32>
        %parallel_loop3A_23 = arith.cmpf ogt, %parallel_loop3A_22, %parallel_loop3A_16 : vector<16xf32>
        %parallel_loop3A_24 = arith.cmpf oeq, %parallel_loop3A_22, %parallel_loop3A_16 : vector<16xf32>
        %parallel_loop3A_25 = vector.broadcast %parallel_loop3A_15 : i32 to vector<16xi32>
        %parallel_loop3A_26 = arith.cmpi slt, %parallel_loop3A_25, %parallel_loop3A_17 : vector<16xi32>
        %parallel_loop3A_27 = arith.andi %parallel_loop3A_24, %parallel_loop3A_26 : vector<16xi1>
        %parallel_loop3A_28 = arith.ori %parallel_loop3A_23, %parallel_loop3A_27 : vector<16xi1>
        %parallel_loop3A_29 = arith.select %parallel_loop3A_28, %parallel_loop3A_22, %parallel_loop3A_16 : vector<16xi1>, vector<16xf32>
        %parallel_loop3A_30 = vector.broadcast %parallel_loop3A_15 : i32 to vector<16xi32>
        %parallel_loop3A_31 = arith.select %parallel_loop3A_28, %parallel_loop3A_30, %parallel_loop3A_17 : vector<16xi1>, vector<16xi32>
        scf.yield %parallel_loop3A_29, %parallel_loop3A_31 : vector<16xf32>, vector<16xi32>
      } {sc.loop_unroll_factor = 4 : i64, sc.parallel_access}
      %scan3A = arith.constant 0 : i32
      %scan3A_10 = arith.constant 100 : i32
      %scan3A_11 = arith.addi %scan3A, %scan3A_10 : i32
      %scan3A_12 = arith.constant 1 : i32
      %scan3A_13:2 = scf.for %scan3A_15 = %scan3A to %scan3A_11 step %scan3A_12 iter_args(%scan3A_16 = %parallel_loop3A_9#0, %scan3A_17 = %parallel_loop3A_9#1) -> (vector<16xf32>, vector<16xi32>)  : i32 {
        %iota3A_18 = tpu.iota {dimensions = array<i32: 0>} : vector<16xi32>
        %xor3A = arith.constant 1 : i32
        %xor3A_19 = vector.broadcast %xor3A : i32 to vector<16xi32>
        %xor3A_20 = arith.xori %iota3A_18, %xor3A_19 : vector<16xi32>
        %lt3A_21 = arith.constant 0 : i32
        %lt3A_22 = vector.broadcast %lt3A_21 : i32 to vector<16xi32>
        %lt3A_23 = arith.cmpi slt, %xor3A_20, %lt3A_22 : vector<16xi32>
        %add3A_24 = arith.constant 16 : i32
        %add3A_25 = vector.broadcast %add3A_24 : i32 to vector<16xi32>
        %add3A_26 = arith.addi %xor3A_20, %add3A_25 : vector<16xi32>
        %select_n3A = arith.select %lt3A_23, %add3A_26, %xor3A_20 : vector<16xi1>, vector<16xi32>
        %broadcast_in_dim3A_27 = vector.shape_cast %select_n3A : vector<16xi32> to vector<16x1xi32>
        %gather3A = vector.shape_cast %broadcast_in_dim3A_27 : vector<16x1xi32> to vector<16xi32>
        %gather3A_28 = tpu.dynamic_gather %scan3A_16[%gather3A] in [0] : vector<16xf32>, vector<16xi32> -> vector<16xf32>
        %max3A = arith.maximumf %scan3A_16, %gather3A_28 : vector<16xf32>
        %xor3A_29 = arith.constant 2 : i32
        %xor3A_30 = vector.broadcast %xor3A_29 : i32 to vector<16xi32>
        %xor3A_31 = arith.xori %iota3A_18, %xor3A_30 : vector<16xi32>
        %lt3A_32 = arith.constant 0 : i32
        %lt3A_33 = vector.broadcast %lt3A_32 : i32 to vector<16xi32>
        %lt3A_34 = arith.cmpi slt, %xor3A_31, %lt3A_33 : vector<16xi32>
        %add3A_35 = arith.constant 16 : i32
        %add3A_36 = vector.broadcast %add3A_35 : i32 to vector<16xi32>
        %add3A_37 = arith.addi %xor3A_31, %add3A_36 : vector<16xi32>
        %select_n3A_38 = arith.select %lt3A_34, %add3A_37, %xor3A_31 : vector<16xi1>, vector<16xi32>
        %broadcast_in_dim3A_39 = vector.shape_cast %select_n3A_38 : vector<16xi32> to vector<16x1xi32>
        %gather3A_40 = vector.shape_cast %broadcast_in_dim3A_39 : vector<16x1xi32> to vector<16xi32>
        %gather3A_41 = tpu.dynamic_gather %max3A[%gather3A_40] in [0] : vector<16xf32>, vector<16xi32> -> vector<16xf32>
        %max3A_42 = arith.maximumf %max3A, %gather3A_41 : vector<16xf32>
        %xor3A_43 = arith.constant 4 : i32
        %xor3A_44 = vector.broadcast %xor3A_43 : i32 to vector<16xi32>
        %xor3A_45 = arith.xori %iota3A_18, %xor3A_44 : vector<16xi32>
        %lt3A_46 = arith.constant 0 : i32
        %lt3A_47 = vector.broadcast %lt3A_46 : i32 to vector<16xi32>
        %lt3A_48 = arith.cmpi slt, %xor3A_45, %lt3A_47 : vector<16xi32>
        %add3A_49 = arith.constant 16 : i32
        %add3A_50 = vector.broadcast %add3A_49 : i32 to vector<16xi32>
        %add3A_51 = arith.addi %xor3A_45, %add3A_50 : vector<16xi32>
        %select_n3A_52 = arith.select %lt3A_48, %add3A_51, %xor3A_45 : vector<16xi1>, vector<16xi32>
        %broadcast_in_dim3A_53 = vector.shape_cast %select_n3A_52 : vector<16xi32> to vector<16x1xi32>
        %gather3A_54 = vector.shape_cast %broadcast_in_dim3A_53 : vector<16x1xi32> to vector<16xi32>
        %gather3A_55 = tpu.dynamic_gather %max3A_42[%gather3A_54] in [0] : vector<16xf32>, vector<16xi32> -> vector<16xf32>
        %max3A_56 = arith.maximumf %max3A_42, %gather3A_55 : vector<16xf32>
        %xor3A_57 = arith.constant 8 : i32
        %xor3A_58 = vector.broadcast %xor3A_57 : i32 to vector<16xi32>
        %xor3A_59 = arith.xori %iota3A_18, %xor3A_58 : vector<16xi32>
        %lt3A_60 = arith.constant 0 : i32
        %lt3A_61 = vector.broadcast %lt3A_60 : i32 to vector<16xi32>
        %lt3A_62 = arith.cmpi slt, %xor3A_59, %lt3A_61 : vector<16xi32>
        %add3A_63 = arith.constant 16 : i32
        %add3A_64 = vector.broadcast %add3A_63 : i32 to vector<16xi32>
        %add3A_65 = arith.addi %xor3A_59, %add3A_64 : vector<16xi32>
        %select_n3A_66 = arith.select %lt3A_62, %add3A_65, %xor3A_59 : vector<16xi1>, vector<16xi32>
        %broadcast_in_dim3A_67 = vector.shape_cast %select_n3A_66 : vector<16xi32> to vector<16x1xi32>
        %gather3A_68 = vector.shape_cast %broadcast_in_dim3A_67 : vector<16x1xi32> to vector<16xi32>
        %gather3A_69 = tpu.dynamic_gather %max3A_56[%gather3A_68] in [0] : vector<16xf32>, vector<16xi32> -> vector<16xf32>
        %max3A_70 = arith.maximumf %max3A_56, %gather3A_69 : vector<16xf32>
        %slice3A = vector.extract_strided_slice %max3A_70 {offsets = [0], sizes = [1], strides = [1]} : vector<16xf32> to vector<1xf32>
        %squeeze3A = vector.extract %slice3A[0] : f32 from vector<1xf32>
        %gt3A = arith.constant 0xFF800000 : f32
        %gt3A_71 = arith.cmpf ogt, %squeeze3A, %gt3A : f32
        %eq3A = vector.broadcast %squeeze3A : f32 to vector<16xf32>
        %eq3A_72 = arith.cmpf oeq, %scan3A_16, %eq3A : vector<16xf32>
        %mul3A_73 = arith.constant 16 : i32
        %mul3A_74 = vector.broadcast %mul3A_73 : i32 to vector<16xi32>
        %mul3A_75 = arith.muli %scan3A_17, %mul3A_74 : vector<16xi32>
        %add3A_76 = arith.addi %mul3A_75, %iota3A : vector<16xi32>
        %jit3A = arith.constant 1073741824 : i32
        %broadcast_in_dim3A_77 = vector.broadcast %jit3A : i32 to vector<16xi32>
        %select_n3A_78 = arith.select %eq3A_72, %add3A_76, %broadcast_in_dim3A_77 : vector<16xi1>, vector<16xi32>
        %iota3A_79 = tpu.iota {dimensions = array<i32: 0>} : vector<16xi32>
        %xor3A_80 = arith.constant 1 : i32
        %xor3A_81 = vector.broadcast %xor3A_80 : i32 to vector<16xi32>
        %xor3A_82 = arith.xori %iota3A_79, %xor3A_81 : vector<16xi32>
        %lt3A_83 = arith.constant 0 : i32
        %lt3A_84 = vector.broadcast %lt3A_83 : i32 to vector<16xi32>
        %lt3A_85 = arith.cmpi slt, %xor3A_82, %lt3A_84 : vector<16xi32>
        %add3A_86 = arith.constant 16 : i32
        %add3A_87 = vector.broadcast %add3A_86 : i32 to vector<16xi32>
        %add3A_88 = arith.addi %xor3A_82, %add3A_87 : vector<16xi32>
        %select_n3A_89 = arith.select %lt3A_85, %add3A_88, %xor3A_82 : vector<16xi1>, vector<16xi32>
        %broadcast_in_dim3A_90 = vector.shape_cast %select_n3A_89 : vector<16xi32> to vector<16x1xi32>
        %gather3A_91 = vector.shape_cast %broadcast_in_dim3A_90 : vector<16x1xi32> to vector<16xi32>
        %gather3A_92 = tpu.dynamic_gather %select_n3A_78[%gather3A_91] in [0] : vector<16xi32>, vector<16xi32> -> vector<16xi32>
        %min3A = arith.minsi %select_n3A_78, %gather3A_92 : vector<16xi32>
        %xor3A_93 = arith.constant 2 : i32
        %xor3A_94 = vector.broadcast %xor3A_93 : i32 to vector<16xi32>
        %xor3A_95 = arith.xori %iota3A_79, %xor3A_94 : vector<16xi32>
        %lt3A_96 = arith.constant 0 : i32
        %lt3A_97 = vector.broadcast %lt3A_96 : i32 to vector<16xi32>
        %lt3A_98 = arith.cmpi slt, %xor3A_95, %lt3A_97 : vector<16xi32>
        %add3A_99 = arith.constant 16 : i32
        %add3A_100 = vector.broadcast %add3A_99 : i32 to vector<16xi32>
        %add3A_101 = arith.addi %xor3A_95, %add3A_100 : vector<16xi32>
        %select_n3A_102 = arith.select %lt3A_98, %add3A_101, %xor3A_95 : vector<16xi1>, vector<16xi32>
        %broadcast_in_dim3A_103 = vector.shape_cast %select_n3A_102 : vector<16xi32> to vector<16x1xi32>
        %gather3A_104 = vector.shape_cast %broadcast_in_dim3A_103 : vector<16x1xi32> to vector<16xi32>
        %gather3A_105 = tpu.dynamic_gather %min3A[%gather3A_104] in [0] : vector<16xi32>, vector<16xi32> -> vector<16xi32>
        %min3A_106 = arith.minsi %min3A, %gather3A_105 : vector<16xi32>
        %xor3A_107 = arith.constant 4 : i32
        %xor3A_108 = vector.broadcast %xor3A_107 : i32 to vector<16xi32>
        %xor3A_109 = arith.xori %iota3A_79, %xor3A_108 : vector<16xi32>
        %lt3A_110 = arith.constant 0 : i32
        %lt3A_111 = vector.broadcast %lt3A_110 : i32 to vector<16xi32>
        %lt3A_112 = arith.cmpi slt, %xor3A_109, %lt3A_111 : vector<16xi32>
        %add3A_113 = arith.constant 16 : i32
        %add3A_114 = vector.broadcast %add3A_113 : i32 to vector<16xi32>
        %add3A_115 = arith.addi %xor3A_109, %add3A_114 : vector<16xi32>
        %select_n3A_116 = arith.select %lt3A_112, %add3A_115, %xor3A_109 : vector<16xi1>, vector<16xi32>
        %broadcast_in_dim3A_117 = vector.shape_cast %select_n3A_116 : vector<16xi32> to vector<16x1xi32>
        %gather3A_118 = vector.shape_cast %broadcast_in_dim3A_117 : vector<16x1xi32> to vector<16xi32>
        %gather3A_119 = tpu.dynamic_gather %min3A_106[%gather3A_118] in [0] : vector<16xi32>, vector<16xi32> -> vector<16xi32>
        %min3A_120 = arith.minsi %min3A_106, %gather3A_119 : vector<16xi32>
        %xor3A_121 = arith.constant 8 : i32
        %xor3A_122 = vector.broadcast %xor3A_121 : i32 to vector<16xi32>
        %xor3A_123 = arith.xori %iota3A_79, %xor3A_122 : vector<16xi32>
        %lt3A_124 = arith.constant 0 : i32
        %lt3A_125 = vector.broadcast %lt3A_124 : i32 to vector<16xi32>
        %lt3A_126 = arith.cmpi slt, %xor3A_123, %lt3A_125 : vector<16xi32>
        %add3A_127 = arith.constant 16 : i32
        %add3A_128 = vector.broadcast %add3A_127 : i32 to vector<16xi32>
        %add3A_129 = arith.addi %xor3A_123, %add3A_128 : vector<16xi32>
        %select_n3A_130 = arith.select %lt3A_126, %add3A_129, %xor3A_123 : vector<16xi1>, vector<16xi32>
        %broadcast_in_dim3A_131 = vector.shape_cast %select_n3A_130 : vector<16xi32> to vector<16x1xi32>
        %gather3A_132 = vector.shape_cast %broadcast_in_dim3A_131 : vector<16x1xi32> to vector<16xi32>
        %gather3A_133 = tpu.dynamic_gather %min3A_120[%gather3A_132] in [0] : vector<16xi32>, vector<16xi32> -> vector<16xi32>
        %min3A_134 = arith.minsi %min3A_120, %gather3A_133 : vector<16xi32>
        %slice3A_135 = vector.extract_strided_slice %min3A_134 {offsets = [0], sizes = [1], strides = [1]} : vector<16xi32> to vector<1xi32>
        %squeeze3A_136 = vector.extract %slice3A_135[0] : i32 from vector<1xi32>
        %jit3A_137 = arith.constant 16 : i32
        %div3A = arith.divsi %squeeze3A_136, %jit3A_137 : i32
        %sign3A = arith.constant 0 : i32
        %sign3A_138 = arith.cmpi sgt, %squeeze3A_136, %sign3A : i32
        %sign3A_139 = arith.extui %sign3A_138 : i1 to i32
        %sign3A_140 = arith.constant 0 : i32
        %sign3A_141 = arith.cmpi slt, %squeeze3A_136, %sign3A_140 : i32
        %sign3A_142 = arith.extui %sign3A_141 : i1 to i32
        %sign3A_143 = arith.subi %sign3A_139, %sign3A_142 : i32
        %sign3A_144 = arith.constant 0 : i32
        %sign3A_145 = arith.cmpi sgt, %jit3A_137, %sign3A_144 : i32
        %sign3A_146 = arith.extui %sign3A_145 : i1 to i32
        %sign3A_147 = arith.constant 0 : i32
        %sign3A_148 = arith.cmpi slt, %jit3A_137, %sign3A_147 : i32
        %sign3A_149 = arith.extui %sign3A_148 : i1 to i32
        %sign3A_150 = arith.subi %sign3A_146, %sign3A_149 : i32
        %ne3A = arith.cmpi ne, %sign3A_143, %sign3A_150 : i32
        %rem3A = arith.remsi %squeeze3A_136, %jit3A_137 : i32
        %ne3A_151 = arith.constant 0 : i32
        %ne3A_152 = arith.cmpi ne, %rem3A, %ne3A_151 : i32
        %and3A = arith.andi %ne3A, %ne3A_152 : i1
        %sub3A = arith.constant 1 : i32
        %sub3A_153 = arith.subi %div3A, %sub3A : i32
        %select_n3A_154 = arith.select %and3A, %sub3A_153, %div3A : i32
        %mul3A_155 = arith.constant 16 : i32
        %mul3A_156 = arith.muli %select_n3A_154, %mul3A_155 : i32
        %and3A_157 = arith.constant 15 : i32
        %and3A_158 = arith.andi %squeeze3A_136, %and3A_157 : i32
        %broadcast_in_dim3A_159 = vector.broadcast %and3A_158 : i32 to vector<16xi32>
        %get3A = arith.index_cast %mul3A_156 : i32 to index
        %get3A_160 = tpu.vector_load %arg9[%get3A] {strides = array<i32>} : memref<20096xf32, #tpu.memory_space<vmem>>, vector<16xf32>,
        %get3A_161 = vector.shape_cast %get3A_160 : vector<16xf32> to vector<16xf32>
        %lt3A_162 = arith.constant 0 : i32
        %lt3A_163 = vector.broadcast %lt3A_162 : i32 to vector<16xi32>
        %lt3A_164 = arith.cmpi slt, %broadcast_in_dim3A_159, %lt3A_163 : vector<16xi32>
        %add3A_165 = arith.constant 16 : i32
        %add3A_166 = vector.broadcast %add3A_165 : i32 to vector<16xi32>
        %add3A_167 = arith.addi %broadcast_in_dim3A_159, %add3A_166 : vector<16xi32>
        %select_n3A_168 = arith.select %lt3A_164, %add3A_167, %broadcast_in_dim3A_159 : vector<16xi1>, vector<16xi32>
        %broadcast_in_dim3A_169 = vector.shape_cast %select_n3A_168 : vector<16xi32> to vector<16x1xi32>
        %gather3A_170 = vector.shape_cast %broadcast_in_dim3A_169 : vector<16x1xi32> to vector<16xi32>
        %gather3A_171 = tpu.dynamic_gather %get3A_161[%gather3A_170] in [0] : vector<16xf32>, vector<16xi32> -> vector<16xf32>
        %get3A_172 = arith.index_cast %mul3A_156 : i32 to index
        %get3A_173 = tpu.vector_load %arg10[%get3A_172] {strides = array<i32>} : memref<20096xf32, #tpu.memory_space<vmem>>, vector<16xf32>,
        %get3A_174 = vector.shape_cast %get3A_173 : vector<16xf32> to vector<16xf32>
        %lt3A_175 = arith.constant 0 : i32
        %lt3A_176 = vector.broadcast %lt3A_175 : i32 to vector<16xi32>
        %lt3A_177 = arith.cmpi slt, %broadcast_in_dim3A_159, %lt3A_176 : vector<16xi32>
        %add3A_178 = arith.constant 16 : i32
        %add3A_179 = vector.broadcast %add3A_178 : i32 to vector<16xi32>
        %add3A_180 = arith.addi %broadcast_in_dim3A_159, %add3A_179 : vector<16xi32>
        %select_n3A_181 = arith.select %lt3A_177, %add3A_180, %broadcast_in_dim3A_159 : vector<16xi1>, vector<16xi32>
        %broadcast_in_dim3A_182 = vector.shape_cast %select_n3A_181 : vector<16xi32> to vector<16x1xi32>
        %gather3A_183 = vector.shape_cast %broadcast_in_dim3A_182 : vector<16x1xi32> to vector<16xi32>
        %gather3A_184 = tpu.dynamic_gather %get3A_174[%gather3A_183] in [0] : vector<16xf32>, vector<16xi32> -> vector<16xf32>
        %get3A_185 = arith.index_cast %mul3A_156 : i32 to index
        %get3A_186 = tpu.vector_load %arg11[%get3A_185] {strides = array<i32>} : memref<20096xf32, #tpu.memory_space<vmem>>, vector<16xf32>,
        %get3A_187 = vector.shape_cast %get3A_186 : vector<16xf32> to vector<16xf32>
        %lt3A_188 = arith.constant 0 : i32
        %lt3A_189 = vector.broadcast %lt3A_188 : i32 to vector<16xi32>
        %lt3A_190 = arith.cmpi slt, %broadcast_in_dim3A_159, %lt3A_189 : vector<16xi32>
        %add3A_191 = arith.constant 16 : i32
        %add3A_192 = vector.broadcast %add3A_191 : i32 to vector<16xi32>
        %add3A_193 = arith.addi %broadcast_in_dim3A_159, %add3A_192 : vector<16xi32>
        %select_n3A_194 = arith.select %lt3A_190, %add3A_193, %broadcast_in_dim3A_159 : vector<16xi1>, vector<16xi32>
        %broadcast_in_dim3A_195 = vector.shape_cast %select_n3A_194 : vector<16xi32> to vector<16x1xi32>
        %gather3A_196 = vector.shape_cast %broadcast_in_dim3A_195 : vector<16x1xi32> to vector<16xi32>
        %gather3A_197 = tpu.dynamic_gather %get3A_187[%gather3A_196] in [0] : vector<16xf32>, vector<16xi32> -> vector<16xf32>
        %get3A_198 = arith.index_cast %mul3A_156 : i32 to index
        %get3A_199 = tpu.vector_load %arg12[%get3A_198] {strides = array<i32>} : memref<20096xf32, #tpu.memory_space<vmem>>, vector<16xf32>,
        %get3A_200 = vector.shape_cast %get3A_199 : vector<16xf32> to vector<16xf32>
        %lt3A_201 = arith.constant 0 : i32
        %lt3A_202 = vector.broadcast %lt3A_201 : i32 to vector<16xi32>
        %lt3A_203 = arith.cmpi slt, %broadcast_in_dim3A_159, %lt3A_202 : vector<16xi32>
        %add3A_204 = arith.constant 16 : i32
        %add3A_205 = vector.broadcast %add3A_204 : i32 to vector<16xi32>
        %add3A_206 = arith.addi %broadcast_in_dim3A_159, %add3A_205 : vector<16xi32>
        %select_n3A_207 = arith.select %lt3A_203, %add3A_206, %broadcast_in_dim3A_159 : vector<16xi1>, vector<16xi32>
        %broadcast_in_dim3A_208 = vector.shape_cast %select_n3A_207 : vector<16xi32> to vector<16x1xi32>
        %gather3A_209 = vector.shape_cast %broadcast_in_dim3A_208 : vector<16x1xi32> to vector<16xi32>
        %gather3A_210 = tpu.dynamic_gather %get3A_200[%gather3A_209] in [0] : vector<16xf32>, vector<16xi32> -> vector<16xf32>
        %sub3A_211 = arith.subf %gather3A_197, %gather3A_171 : vector<16xf32>
        %sub3A_212 = arith.subf %gather3A_210, %gather3A_184 : vector<16xf32>
        %mul3A_213 = arith.mulf %sub3A_211, %sub3A_212 : vector<16xf32>
        %add3A_214 = arith.constant 5.000000e-01 : f32
        %add3A_215 = vector.broadcast %add3A_214 : f32 to vector<16xf32>
        %add3A_216 = arith.addf %gather3A_171, %add3A_215 : vector<16xf32>
        %div3A_217 = arith.constant 6.400000e+02 : f32
        %div3A_218 = vector.broadcast %div3A_217 : f32 to vector<16xf32>
        %div3A_219 = arith.divf %add3A_216, %div3A_218 : vector<16xf32>
        %convert_element_type3A_220 = arith.fptosi %div3A_219 : vector<16xf32> to vector<16xi32>
        %convert_element_type3A_221 = arith.sitofp %convert_element_type3A_220 : vector<16xi32> to vector<16xf32>
        %mul3A_222 = arith.constant 6.400000e+02 : f32
        %mul3A_223 = vector.broadcast %mul3A_222 : f32 to vector<16xf32>
        %mul3A_224 = arith.mulf %convert_element_type3A_221, %mul3A_223 : vector<16xf32>
        %sub3A_225 = arith.subf %gather3A_171, %mul3A_224 : vector<16xf32>
        %lt3A_226 = arith.constant -3.200000e+02 : f32
        %lt3A_227 = vector.broadcast %lt3A_226 : f32 to vector<16xf32>
        %lt3A_228 = arith.cmpf olt, %sub3A_225, %lt3A_227 : vector<16xf32>
        %gt3A_229 = arith.constant 3.200000e+02 : f32
        %gt3A_230 = vector.broadcast %gt3A_229 : f32 to vector<16xf32>
        %gt3A_231 = arith.cmpf ogt, %sub3A_225, %gt3A_230 : vector<16xf32>
        %jit3A_232 = arith.constant 1.000000e+00 : f32
        %jit3A_233 = arith.constant 0.000000e+00 : f32
        %broadcast_in_dim3A_234 = vector.broadcast %jit3A_232 : f32 to vector<16xf32>
        %broadcast_in_dim3A_235 = vector.broadcast %jit3A_233 : f32 to vector<16xf32>
        %select_n3A_236 = arith.select %gt3A_231, %broadcast_in_dim3A_234, %broadcast_in_dim3A_235 : vector<16xi1>, vector<16xf32>
        %jit3A_237 = arith.constant -1.000000e+00 : f32
        %broadcast_in_dim3A_238 = vector.broadcast %jit3A_237 : f32 to vector<16xf32>
        %select_n3A_239 = arith.select %lt3A_228, %broadcast_in_dim3A_238, %select_n3A_236 : vector<16xi1>, vector<16xf32>
        %add3A_240 = arith.addf %convert_element_type3A_221, %select_n3A_239 : vector<16xf32>
        %mul3A_241 = arith.constant 6.400000e+02 : f32
        %mul3A_242 = vector.broadcast %mul3A_241 : f32 to vector<16xf32>
        %mul3A_243 = arith.mulf %add3A_240, %mul3A_242 : vector<16xf32>
        %jit3A_244 = arith.constant 0.000000e+00 : f32
        %select_n3A_245 = arith.select %gt3A_71, %squeeze3A, %jit3A_244 : f32
        %jit3A_246 = arith.constant 1.000000e+00 : f32
        %jit3A_247 = arith.constant 0.000000e+00 : f32
        %select_n3A_248 = arith.select %gt3A_71, %jit3A_246, %jit3A_247 : f32
        %eq3A_249 = arith.constant 0 : i32
        %eq3A_250 = vector.broadcast %eq3A_249 : i32 to vector<16xi32>
        %eq3A_251 = arith.cmpi eq, %iota3A, %eq3A_250 : vector<16xi32>
        %eq3A_252 = arith.constant 1 : i32
        %eq3A_253 = vector.broadcast %eq3A_252 : i32 to vector<16xi32>
        %eq3A_254 = arith.cmpi eq, %iota3A, %eq3A_253 : vector<16xi32>
        %sub3A_255 = arith.subf %gather3A_171, %mul3A_243 : vector<16xf32>
        %eq3A_256 = arith.constant 2 : i32
        %eq3A_257 = vector.broadcast %eq3A_256 : i32 to vector<16xi32>
        %eq3A_258 = arith.cmpi eq, %iota3A, %eq3A_257 : vector<16xi32>
        %sub3A_259 = arith.subf %gather3A_184, %mul3A_243 : vector<16xf32>
        %eq3A_260 = arith.constant 3 : i32
        %eq3A_261 = vector.broadcast %eq3A_260 : i32 to vector<16xi32>
        %eq3A_262 = arith.cmpi eq, %iota3A, %eq3A_261 : vector<16xi32>
        %sub3A_263 = arith.subf %gather3A_197, %mul3A_243 : vector<16xf32>
        %eq3A_264 = arith.constant 4 : i32
        %eq3A_265 = vector.broadcast %eq3A_264 : i32 to vector<16xi32>
        %eq3A_266 = arith.cmpi eq, %iota3A, %eq3A_265 : vector<16xi32>
        %sub3A_267 = arith.subf %gather3A_210, %mul3A_243 : vector<16xf32>
        %eq3A_268 = arith.constant 5 : i32
        %eq3A_269 = vector.broadcast %eq3A_268 : i32 to vector<16xi32>
        %eq3A_270 = arith.cmpi eq, %iota3A, %eq3A_269 : vector<16xi32>
        %eq3A_271 = arith.constant 6 : i32
        %eq3A_272 = vector.broadcast %eq3A_271 : i32 to vector<16xi32>
        %eq3A_273 = arith.cmpi eq, %iota3A, %eq3A_272 : vector<16xi32>
        %jit3A_274 = arith.constant 0.000000e+00 : f32
        %broadcast_in_dim3A_275 = vector.broadcast %select_n3A_245 : f32 to vector<16xf32>
        %broadcast_in_dim3A_276 = vector.broadcast %jit3A_274 : f32 to vector<16xf32>
        %select_n3A_277 = arith.select %eq3A_273, %broadcast_in_dim3A_275, %broadcast_in_dim3A_276 : vector<16xi1>, vector<16xf32>
        %select_n3A_278 = arith.select %eq3A_270, %add3A_240, %select_n3A_277 : vector<16xi1>, vector<16xf32>
        %select_n3A_279 = arith.select %eq3A_266, %sub3A_267, %select_n3A_278 : vector<16xi1>, vector<16xf32>
        %select_n3A_280 = arith.select %eq3A_262, %sub3A_263, %select_n3A_279 : vector<16xi1>, vector<16xf32>
        %select_n3A_281 = arith.select %eq3A_258, %sub3A_259, %select_n3A_280 : vector<16xi1>, vector<16xf32>
        %select_n3A_282 = arith.select %eq3A_254, %sub3A_255, %select_n3A_281 : vector<16xi1>, vector<16xf32>
        %broadcast_in_dim3A_283 = vector.broadcast %convert_element_type3A_3 : f32 to vector<16xf32>
        %select_n3A_284 = arith.select %eq3A_251, %broadcast_in_dim3A_283, %select_n3A_282 : vector<16xi1>, vector<16xf32>
        %mul3A_285 = vector.broadcast %select_n3A_248 : f32 to vector<16xf32>
        %mul3A_286 = arith.mulf %select_n3A_284, %mul3A_285 : vector<16xf32>
        %mul3A_287 = arith.constant 16 : i32
        %mul3A_288 = arith.muli %scan3A_15, %mul3A_287 : i32
        %swap3A = arith.index_cast %mul3A_288 : i32 to index
        %swap3A_289 = tpu.vector_load %arg13[%swap3A] {strides = array<i32>} : memref<1600xf32, #tpu.memory_space<vmem>>, vector<16xf32>,
        %swap3A_290 = vector.shape_cast %swap3A_289 : vector<16xf32> to vector<16xf32>
        %swap3A_291 = vector.shape_cast %mul3A_286 : vector<16xf32> to vector<16xf32>
        tpu.vector_store %arg13[%swap3A], %swap3A_291 {strides = array<i32>} : memref<1600xf32, #tpu.memory_space<vmem>>, vector<16xf32>,
        %get3A_292 = arith.index_cast %mul3A_156 : i32 to index
        %get3A_293 = tpu.vector_load %arg8[%get3A_292] {strides = array<i32>} : memref<20096xf32, #tpu.memory_space<vmem>>, vector<16xf32>,
        %get3A_294 = vector.shape_cast %get3A_293 : vector<16xf32> to vector<16xf32>
        %and3A_295 = arith.constant 15 : i32
        %and3A_296 = arith.andi %squeeze3A_136, %and3A_295 : i32
        %eq3A_297 = vector.broadcast %and3A_296 : i32 to vector<16xi32>
        %eq3A_298 = arith.cmpi eq, %iota3A, %eq3A_297 : vector<16xi32>
        %jit3A_299 = arith.constant 0xFF800000 : f32
        %broadcast_in_dim3A_300 = vector.broadcast %jit3A_299 : f32 to vector<16xf32>
        %select_n3A_301 = arith.select %eq3A_298, %broadcast_in_dim3A_300, %get3A_294 : vector<16xi1>, vector<16xf32>
        %swap3A_302 = arith.index_cast %mul3A_156 : i32 to index
        %swap3A_303 = tpu.vector_load %arg8[%swap3A_302] {strides = array<i32>} : memref<20096xf32, #tpu.memory_space<vmem>>, vector<16xf32>,
        %swap3A_304 = vector.shape_cast %swap3A_303 : vector<16xf32> to vector<16xf32>
        %swap3A_305 = vector.shape_cast %select_n3A_301 : vector<16xf32> to vector<16xf32>
        tpu.vector_store %arg8[%swap3A_302], %swap3A_305 {strides = array<i32>} : memref<20096xf32, #tpu.memory_space<vmem>>, vector<16xf32>,
        %parallel_loop3A_306 = arith.constant 0 : i32
        %parallel_loop3A_307 = arith.constant 1256 : i32
        %parallel_loop3A_308 = arith.constant 4 : i32
        %parallel_loop3A_309:2 = scf.for %parallel_loop3A_310 = %parallel_loop3A_306 to %parallel_loop3A_307 step %parallel_loop3A_308 iter_args(%parallel_loop3A_311 = %broadcast_in_dim3A_4, %parallel_loop3A_312 = %broadcast_in_dim3A_6) -> (vector<16xf32>, vector<16xi32>)  : i32 {
          %parallel_loop3A_313 = arith.constant 0 : i32
          %parallel_loop3A_314 = arith.addi %parallel_loop3A_310, %parallel_loop3A_313 : i32
          %parallel_loop3A_315 = arith.constant 16 : i32
          %parallel_loop3A_316 = arith.muli %parallel_loop3A_314, %parallel_loop3A_315 : i32
          %parallel_loop3A_317 = arith.index_cast %parallel_loop3A_316 : i32 to index
          %parallel_loop3A_318 = tpu.vector_load %arg8[%parallel_loop3A_317] {strides = array<i32>} : memref<20096xf32, #tpu.memory_space<vmem>>, vector<16xf32>,
          %parallel_loop3A_319 = vector.shape_cast %parallel_loop3A_318 : vector<16xf32> to vector<16xf32>
          %parallel_loop3A_320 = arith.index_cast %parallel_loop3A_316 : i32 to index
          %parallel_loop3A_321 = tpu.vector_load %arg9[%parallel_loop3A_320] {strides = array<i32>} : memref<20096xf32, #tpu.memory_space<vmem>>, vector<16xf32>,
          %parallel_loop3A_322 = vector.shape_cast %parallel_loop3A_321 : vector<16xf32> to vector<16xf32>
          %parallel_loop3A_323 = arith.index_cast %parallel_loop3A_316 : i32 to index
          %parallel_loop3A_324 = tpu.vector_load %arg10[%parallel_loop3A_323] {strides = array<i32>} : memref<20096xf32, #tpu.memory_space<vmem>>, vector<16xf32>,
          %parallel_loop3A_325 = vector.shape_cast %parallel_loop3A_324 : vector<16xf32> to vector<16xf32>
          %parallel_loop3A_326 = arith.index_cast %parallel_loop3A_316 : i32 to index
          %parallel_loop3A_327 = tpu.vector_load %arg11[%parallel_loop3A_326] {strides = array<i32>} : memref<20096xf32, #tpu.memory_space<vmem>>, vector<16xf32>,
          %parallel_loop3A_328 = vector.shape_cast %parallel_loop3A_327 : vector<16xf32> to vector<16xf32>
          %parallel_loop3A_329 = arith.index_cast %parallel_loop3A_316 : i32 to index
          %parallel_loop3A_330 = tpu.vector_load %arg12[%parallel_loop3A_329] {strides = array<i32>} : memref<20096xf32, #tpu.memory_space<vmem>>, vector<16xf32>,
          %parallel_loop3A_331 = vector.shape_cast %parallel_loop3A_330 : vector<16xf32> to vector<16xf32>
          %parallel_loop3A_332 = arith.subf %parallel_loop3A_328, %parallel_loop3A_322 : vector<16xf32>
          %parallel_loop3A_333 = arith.subf %parallel_loop3A_331, %parallel_loop3A_325 : vector<16xf32>
          %parallel_loop3A_334 = arith.mulf %parallel_loop3A_332, %parallel_loop3A_333 : vector<16xf32>
          %parallel_loop3A_335 = arith.maximumf %gather3A_171, %parallel_loop3A_322 : vector<16xf32>
          %parallel_loop3A_336 = arith.maximumf %gather3A_184, %parallel_loop3A_325 : vector<16xf32>
          %parallel_loop3A_337 = arith.minimumf %gather3A_197, %parallel_loop3A_328 : vector<16xf32>
          %parallel_loop3A_338 = arith.minimumf %gather3A_210, %parallel_loop3A_331 : vector<16xf32>
          %parallel_loop3A_339 = arith.subf %parallel_loop3A_337, %parallel_loop3A_335 : vector<16xf32>
          %parallel_loop3A_340 = arith.constant 0.000000e+00 : f32
          %parallel_loop3A_341 = vector.broadcast %parallel_loop3A_340 : f32 to vector<16xf32>
          %parallel_loop3A_342 = arith.maximumf %parallel_loop3A_339, %parallel_loop3A_341 : vector<16xf32>
          %parallel_loop3A_343 = arith.subf %parallel_loop3A_338, %parallel_loop3A_336 : vector<16xf32>
          %parallel_loop3A_344 = arith.constant 0.000000e+00 : f32
          %parallel_loop3A_345 = vector.broadcast %parallel_loop3A_344 : f32 to vector<16xf32>
          %parallel_loop3A_346 = arith.maximumf %parallel_loop3A_343, %parallel_loop3A_345 : vector<16xf32>
          %parallel_loop3A_347 = arith.mulf %parallel_loop3A_342, %parallel_loop3A_346 : vector<16xf32>
          %parallel_loop3A_348 = arith.addf %mul3A_213, %parallel_loop3A_334 : vector<16xf32>
          %parallel_loop3A_349 = arith.subf %parallel_loop3A_348, %parallel_loop3A_347 : vector<16xf32>
          %parallel_loop3A_350 = arith.constant 9.99999971E-10 : f32
          %parallel_loop3A_351 = vector.broadcast %parallel_loop3A_350 : f32 to vector<16xf32>
          %parallel_loop3A_352 = arith.addf %parallel_loop3A_349, %parallel_loop3A_351 : vector<16xf32>
          %parallel_loop3A_353 = arith.constant 1.000000e+00 : f32
          %parallel_loop3A_354 = vector.broadcast %parallel_loop3A_353 : f32 to vector<16xf32>
          %parallel_loop3A_355 = arith.divf %parallel_loop3A_354, %parallel_loop3A_352 : vector<16xf32>
          %parallel_loop3A_356 = arith.mulf %parallel_loop3A_352, %parallel_loop3A_355 : vector<16xf32>
          %parallel_loop3A_357 = arith.constant 2.000000e+00 : f32
          %parallel_loop3A_358 = vector.broadcast %parallel_loop3A_357 : f32 to vector<16xf32>
          %parallel_loop3A_359 = arith.subf %parallel_loop3A_358, %parallel_loop3A_356 : vector<16xf32>
          %parallel_loop3A_360 = arith.mulf %parallel_loop3A_355, %parallel_loop3A_359 : vector<16xf32>
          %parallel_loop3A_361 = arith.mulf %parallel_loop3A_347, %parallel_loop3A_360 : vector<16xf32>
          %parallel_loop3A_362 = arith.constant 4.500000e-01 : f32
          %parallel_loop3A_363 = vector.broadcast %parallel_loop3A_362 : f32 to vector<16xf32>
          %parallel_loop3A_364 = arith.cmpf ogt, %parallel_loop3A_361, %parallel_loop3A_363 : vector<16xf32>
          %parallel_loop3A_365 = arith.select %parallel_loop3A_364, %broadcast_in_dim3A_4, %parallel_loop3A_319 : vector<16xi1>, vector<16xf32>
          %parallel_loop3A_366 = arith.index_cast %parallel_loop3A_316 : i32 to index
          %parallel_loop3A_367 = tpu.vector_load %arg8[%parallel_loop3A_366] {strides = array<i32>} : memref<20096xf32, #tpu.memory_space<vmem>>, vector<16xf32>,
          %parallel_loop3A_368 = vector.shape_cast %parallel_loop3A_367 : vector<16xf32> to vector<16xf32>
          %parallel_loop3A_369 = vector.shape_cast %parallel_loop3A_365 : vector<16xf32> to vector<16xf32>
          tpu.vector_store %arg8[%parallel_loop3A_366], %parallel_loop3A_369 {strides = array<i32>} : memref<20096xf32, #tpu.memory_space<vmem>>, vector<16xf32>,
          %parallel_loop3A_370 = arith.cmpf ogt, %parallel_loop3A_365, %parallel_loop3A_311 : vector<16xf32>
          %parallel_loop3A_371 = arith.cmpf oeq, %parallel_loop3A_365, %parallel_loop3A_311 : vector<16xf32>
          %parallel_loop3A_372 = vector.broadcast %parallel_loop3A_314 : i32 to vector<16xi32>
          %parallel_loop3A_373 = arith.cmpi slt, %parallel_loop3A_372, %parallel_loop3A_312 : vector<16xi32>
          %parallel_loop3A_374 = arith.andi %parallel_loop3A_371, %parallel_loop3A_373 : vector<16xi1>
          %parallel_loop3A_375 = arith.ori %parallel_loop3A_370, %parallel_loop3A_374 : vector<16xi1>
          %parallel_loop3A_376 = arith.select %parallel_loop3A_375, %parallel_loop3A_365, %parallel_loop3A_311 : vector<16xi1>, vector<16xf32>
          %parallel_loop3A_377 = vector.broadcast %parallel_loop3A_314 : i32 to vector<16xi32>
          %parallel_loop3A_378 = arith.select %parallel_loop3A_375, %parallel_loop3A_377, %parallel_loop3A_312 : vector<16xi1>, vector<16xi32>
          %parallel_loop3A_379 = arith.constant 1 : i32
          %parallel_loop3A_380 = arith.addi %parallel_loop3A_310, %parallel_loop3A_379 : i32
          %parallel_loop3A_381 = arith.constant 16 : i32
          %parallel_loop3A_382 = arith.muli %parallel_loop3A_380, %parallel_loop3A_381 : i32
          %parallel_loop3A_383 = arith.index_cast %parallel_loop3A_382 : i32 to index
          %parallel_loop3A_384 = tpu.vector_load %arg8[%parallel_loop3A_383] {strides = array<i32>} : memref<20096xf32, #tpu.memory_space<vmem>>, vector<16xf32>,
          %parallel_loop3A_385 = vector.shape_cast %parallel_loop3A_384 : vector<16xf32> to vector<16xf32>
          %parallel_loop3A_386 = arith.index_cast %parallel_loop3A_382 : i32 to index
          %parallel_loop3A_387 = tpu.vector_load %arg9[%parallel_loop3A_386] {strides = array<i32>} : memref<20096xf32, #tpu.memory_space<vmem>>, vector<16xf32>,
          %parallel_loop3A_388 = vector.shape_cast %parallel_loop3A_387 : vector<16xf32> to vector<16xf32>
          %parallel_loop3A_389 = arith.index_cast %parallel_loop3A_382 : i32 to index
          %parallel_loop3A_390 = tpu.vector_load %arg10[%parallel_loop3A_389] {strides = array<i32>} : memref<20096xf32, #tpu.memory_space<vmem>>, vector<16xf32>,
          %parallel_loop3A_391 = vector.shape_cast %parallel_loop3A_390 : vector<16xf32> to vector<16xf32>
          %parallel_loop3A_392 = arith.index_cast %parallel_loop3A_382 : i32 to index
          %parallel_loop3A_393 = tpu.vector_load %arg11[%parallel_loop3A_392] {strides = array<i32>} : memref<20096xf32, #tpu.memory_space<vmem>>, vector<16xf32>,
          %parallel_loop3A_394 = vector.shape_cast %parallel_loop3A_393 : vector<16xf32> to vector<16xf32>
          %parallel_loop3A_395 = arith.index_cast %parallel_loop3A_382 : i32 to index
          %parallel_loop3A_396 = tpu.vector_load %arg12[%parallel_loop3A_395] {strides = array<i32>} : memref<20096xf32, #tpu.memory_space<vmem>>, vector<16xf32>,
          %parallel_loop3A_397 = vector.shape_cast %parallel_loop3A_396 : vector<16xf32> to vector<16xf32>
          %parallel_loop3A_398 = arith.subf %parallel_loop3A_394, %parallel_loop3A_388 : vector<16xf32>
          %parallel_loop3A_399 = arith.subf %parallel_loop3A_397, %parallel_loop3A_391 : vector<16xf32>
          %parallel_loop3A_400 = arith.mulf %parallel_loop3A_398, %parallel_loop3A_399 : vector<16xf32>
          %parallel_loop3A_401 = arith.maximumf %gather3A_171, %parallel_loop3A_388 : vector<16xf32>
          %parallel_loop3A_402 = arith.maximumf %gather3A_184, %parallel_loop3A_391 : vector<16xf32>
          %parallel_loop3A_403 = arith.minimumf %gather3A_197, %parallel_loop3A_394 : vector<16xf32>
          %parallel_loop3A_404 = arith.minimumf %gather3A_210, %parallel_loop3A_397 : vector<16xf32>
          %parallel_loop3A_405 = arith.subf %parallel_loop3A_403, %parallel_loop3A_401 : vector<16xf32>
          %parallel_loop3A_406 = arith.constant 0.000000e+00 : f32
          %parallel_loop3A_407 = vector.broadcast %parallel_loop3A_406 : f32 to vector<16xf32>
          %parallel_loop3A_408 = arith.maximumf %parallel_loop3A_405, %parallel_loop3A_407 : vector<16xf32>
          %parallel_loop3A_409 = arith.subf %parallel_loop3A_404, %parallel_loop3A_402 : vector<16xf32>
          %parallel_loop3A_410 = arith.constant 0.000000e+00 : f32
          %parallel_loop3A_411 = vector.broadcast %parallel_loop3A_410 : f32 to vector<16xf32>
          %parallel_loop3A_412 = arith.maximumf %parallel_loop3A_409, %parallel_loop3A_411 : vector<16xf32>
          %parallel_loop3A_413 = arith.mulf %parallel_loop3A_408, %parallel_loop3A_412 : vector<16xf32>
          %parallel_loop3A_414 = arith.addf %mul3A_213, %parallel_loop3A_400 : vector<16xf32>
          %parallel_loop3A_415 = arith.subf %parallel_loop3A_414, %parallel_loop3A_413 : vector<16xf32>
          %parallel_loop3A_416 = arith.constant 9.99999971E-10 : f32
          %parallel_loop3A_417 = vector.broadcast %parallel_loop3A_416 : f32 to vector<16xf32>
          %parallel_loop3A_418 = arith.addf %parallel_loop3A_415, %parallel_loop3A_417 : vector<16xf32>
          %parallel_loop3A_419 = arith.constant 1.000000e+00 : f32
          %parallel_loop3A_420 = vector.broadcast %parallel_loop3A_419 : f32 to vector<16xf32>
          %parallel_loop3A_421 = arith.divf %parallel_loop3A_420, %parallel_loop3A_418 : vector<16xf32>
          %parallel_loop3A_422 = arith.mulf %parallel_loop3A_418, %parallel_loop3A_421 : vector<16xf32>
          %parallel_loop3A_423 = arith.constant 2.000000e+00 : f32
          %parallel_loop3A_424 = vector.broadcast %parallel_loop3A_423 : f32 to vector<16xf32>
          %parallel_loop3A_425 = arith.subf %parallel_loop3A_424, %parallel_loop3A_422 : vector<16xf32>
          %parallel_loop3A_426 = arith.mulf %parallel_loop3A_421, %parallel_loop3A_425 : vector<16xf32>
          %parallel_loop3A_427 = arith.mulf %parallel_loop3A_413, %parallel_loop3A_426 : vector<16xf32>
          %parallel_loop3A_428 = arith.constant 4.500000e-01 : f32
          %parallel_loop3A_429 = vector.broadcast %parallel_loop3A_428 : f32 to vector<16xf32>
          %parallel_loop3A_430 = arith.cmpf ogt, %parallel_loop3A_427, %parallel_loop3A_429 : vector<16xf32>
          %parallel_loop3A_431 = arith.select %parallel_loop3A_430, %broadcast_in_dim3A_4, %parallel_loop3A_385 : vector<16xi1>, vector<16xf32>
          %parallel_loop3A_432 = arith.index_cast %parallel_loop3A_382 : i32 to index
          %parallel_loop3A_433 = tpu.vector_load %arg8[%parallel_loop3A_432] {strides = array<i32>} : memref<20096xf32, #tpu.memory_space<vmem>>, vector<16xf32>,
          %parallel_loop3A_434 = vector.shape_cast %parallel_loop3A_433 : vector<16xf32> to vector<16xf32>
          %parallel_loop3A_435 = vector.shape_cast %parallel_loop3A_431 : vector<16xf32> to vector<16xf32>
          tpu.vector_store %arg8[%parallel_loop3A_432], %parallel_loop3A_435 {strides = array<i32>} : memref<20096xf32, #tpu.memory_space<vmem>>, vector<16xf32>,
          %parallel_loop3A_436 = arith.cmpf ogt, %parallel_loop3A_431, %parallel_loop3A_376 : vector<16xf32>
          %parallel_loop3A_437 = arith.cmpf oeq, %parallel_loop3A_431, %parallel_loop3A_376 : vector<16xf32>
          %parallel_loop3A_438 = vector.broadcast %parallel_loop3A_380 : i32 to vector<16xi32>
          %parallel_loop3A_439 = arith.cmpi slt, %parallel_loop3A_438, %parallel_loop3A_378 : vector<16xi32>
          %parallel_loop3A_440 = arith.andi %parallel_loop3A_437, %parallel_loop3A_439 : vector<16xi1>
          %parallel_loop3A_441 = arith.ori %parallel_loop3A_436, %parallel_loop3A_440 : vector<16xi1>
          %parallel_loop3A_442 = arith.select %parallel_loop3A_441, %parallel_loop3A_431, %parallel_loop3A_376 : vector<16xi1>, vector<16xf32>
          %parallel_loop3A_443 = vector.broadcast %parallel_loop3A_380 : i32 to vector<16xi32>
          %parallel_loop3A_444 = arith.select %parallel_loop3A_441, %parallel_loop3A_443, %parallel_loop3A_378 : vector<16xi1>, vector<16xi32>
          %parallel_loop3A_445 = arith.constant 2 : i32
          %parallel_loop3A_446 = arith.addi %parallel_loop3A_310, %parallel_loop3A_445 : i32
          %parallel_loop3A_447 = arith.constant 16 : i32
          %parallel_loop3A_448 = arith.muli %parallel_loop3A_446, %parallel_loop3A_447 : i32
          %parallel_loop3A_449 = arith.index_cast %parallel_loop3A_448 : i32 to index
          %parallel_loop3A_450 = tpu.vector_load %arg8[%parallel_loop3A_449] {strides = array<i32>} : memref<20096xf32, #tpu.memory_space<vmem>>, vector<16xf32>,
          %parallel_loop3A_451 = vector.shape_cast %parallel_loop3A_450 : vector<16xf32> to vector<16xf32>
          %parallel_loop3A_452 = arith.index_cast %parallel_loop3A_448 : i32 to index
          %parallel_loop3A_453 = tpu.vector_load %arg9[%parallel_loop3A_452] {strides = array<i32>} : memref<20096xf32, #tpu.memory_space<vmem>>, vector<16xf32>,
          %parallel_loop3A_454 = vector.shape_cast %parallel_loop3A_453 : vector<16xf32> to vector<16xf32>
          %parallel_loop3A_455 = arith.index_cast %parallel_loop3A_448 : i32 to index
          %parallel_loop3A_456 = tpu.vector_load %arg10[%parallel_loop3A_455] {strides = array<i32>} : memref<20096xf32, #tpu.memory_space<vmem>>, vector<16xf32>,
          %parallel_loop3A_457 = vector.shape_cast %parallel_loop3A_456 : vector<16xf32> to vector<16xf32>
          %parallel_loop3A_458 = arith.index_cast %parallel_loop3A_448 : i32 to index
          %parallel_loop3A_459 = tpu.vector_load %arg11[%parallel_loop3A_458] {strides = array<i32>} : memref<20096xf32, #tpu.memory_space<vmem>>, vector<16xf32>,
          %parallel_loop3A_460 = vector.shape_cast %parallel_loop3A_459 : vector<16xf32> to vector<16xf32>
          %parallel_loop3A_461 = arith.index_cast %parallel_loop3A_448 : i32 to index
          %parallel_loop3A_462 = tpu.vector_load %arg12[%parallel_loop3A_461] {strides = array<i32>} : memref<20096xf32, #tpu.memory_space<vmem>>, vector<16xf32>,
          %parallel_loop3A_463 = vector.shape_cast %parallel_loop3A_462 : vector<16xf32> to vector<16xf32>
          %parallel_loop3A_464 = arith.subf %parallel_loop3A_460, %parallel_loop3A_454 : vector<16xf32>
          %parallel_loop3A_465 = arith.subf %parallel_loop3A_463, %parallel_loop3A_457 : vector<16xf32>
          %parallel_loop3A_466 = arith.mulf %parallel_loop3A_464, %parallel_loop3A_465 : vector<16xf32>
          %parallel_loop3A_467 = arith.maximumf %gather3A_171, %parallel_loop3A_454 : vector<16xf32>
          %parallel_loop3A_468 = arith.maximumf %gather3A_184, %parallel_loop3A_457 : vector<16xf32>
          %parallel_loop3A_469 = arith.minimumf %gather3A_197, %parallel_loop3A_460 : vector<16xf32>
          %parallel_loop3A_470 = arith.minimumf %gather3A_210, %parallel_loop3A_463 : vector<16xf32>
          %parallel_loop3A_471 = arith.subf %parallel_loop3A_469, %parallel_loop3A_467 : vector<16xf32>
          %parallel_loop3A_472 = arith.constant 0.000000e+00 : f32
          %parallel_loop3A_473 = vector.broadcast %parallel_loop3A_472 : f32 to vector<16xf32>
          %parallel_loop3A_474 = arith.maximumf %parallel_loop3A_471, %parallel_loop3A_473 : vector<16xf32>
          %parallel_loop3A_475 = arith.subf %parallel_loop3A_470, %parallel_loop3A_468 : vector<16xf32>
          %parallel_loop3A_476 = arith.constant 0.000000e+00 : f32
          %parallel_loop3A_477 = vector.broadcast %parallel_loop3A_476 : f32 to vector<16xf32>
          %parallel_loop3A_478 = arith.maximumf %parallel_loop3A_475, %parallel_loop3A_477 : vector<16xf32>
          %parallel_loop3A_479 = arith.mulf %parallel_loop3A_474, %parallel_loop3A_478 : vector<16xf32>
          %parallel_loop3A_480 = arith.addf %mul3A_213, %parallel_loop3A_466 : vector<16xf32>
          %parallel_loop3A_481 = arith.subf %parallel_loop3A_480, %parallel_loop3A_479 : vector<16xf32>
          %parallel_loop3A_482 = arith.constant 9.99999971E-10 : f32
          %parallel_loop3A_483 = vector.broadcast %parallel_loop3A_482 : f32 to vector<16xf32>
          %parallel_loop3A_484 = arith.addf %parallel_loop3A_481, %parallel_loop3A_483 : vector<16xf32>
          %parallel_loop3A_485 = arith.constant 1.000000e+00 : f32
          %parallel_loop3A_486 = vector.broadcast %parallel_loop3A_485 : f32 to vector<16xf32>
          %parallel_loop3A_487 = arith.divf %parallel_loop3A_486, %parallel_loop3A_484 : vector<16xf32>
          %parallel_loop3A_488 = arith.mulf %parallel_loop3A_484, %parallel_loop3A_487 : vector<16xf32>
          %parallel_loop3A_489 = arith.constant 2.000000e+00 : f32
          %parallel_loop3A_490 = vector.broadcast %parallel_loop3A_489 : f32 to vector<16xf32>
          %parallel_loop3A_491 = arith.subf %parallel_loop3A_490, %parallel_loop3A_488 : vector<16xf32>
          %parallel_loop3A_492 = arith.mulf %parallel_loop3A_487, %parallel_loop3A_491 : vector<16xf32>
          %parallel_loop3A_493 = arith.mulf %parallel_loop3A_479, %parallel_loop3A_492 : vector<16xf32>
          %parallel_loop3A_494 = arith.constant 4.500000e-01 : f32
          %parallel_loop3A_495 = vector.broadcast %parallel_loop3A_494 : f32 to vector<16xf32>
          %parallel_loop3A_496 = arith.cmpf ogt, %parallel_loop3A_493, %parallel_loop3A_495 : vector<16xf32>
          %parallel_loop3A_497 = arith.select %parallel_loop3A_496, %broadcast_in_dim3A_4, %parallel_loop3A_451 : vector<16xi1>, vector<16xf32>
          %parallel_loop3A_498 = arith.index_cast %parallel_loop3A_448 : i32 to index
          %parallel_loop3A_499 = tpu.vector_load %arg8[%parallel_loop3A_498] {strides = array<i32>} : memref<20096xf32, #tpu.memory_space<vmem>>, vector<16xf32>,
          %parallel_loop3A_500 = vector.shape_cast %parallel_loop3A_499 : vector<16xf32> to vector<16xf32>
          %parallel_loop3A_501 = vector.shape_cast %parallel_loop3A_497 : vector<16xf32> to vector<16xf32>
          tpu.vector_store %arg8[%parallel_loop3A_498], %parallel_loop3A_501 {strides = array<i32>} : memref<20096xf32, #tpu.memory_space<vmem>>, vector<16xf32>,
          %parallel_loop3A_502 = arith.cmpf ogt, %parallel_loop3A_497, %parallel_loop3A_442 : vector<16xf32>
          %parallel_loop3A_503 = arith.cmpf oeq, %parallel_loop3A_497, %parallel_loop3A_442 : vector<16xf32>
          %parallel_loop3A_504 = vector.broadcast %parallel_loop3A_446 : i32 to vector<16xi32>
          %parallel_loop3A_505 = arith.cmpi slt, %parallel_loop3A_504, %parallel_loop3A_444 : vector<16xi32>
          %parallel_loop3A_506 = arith.andi %parallel_loop3A_503, %parallel_loop3A_505 : vector<16xi1>
          %parallel_loop3A_507 = arith.ori %parallel_loop3A_502, %parallel_loop3A_506 : vector<16xi1>
          %parallel_loop3A_508 = arith.select %parallel_loop3A_507, %parallel_loop3A_497, %parallel_loop3A_442 : vector<16xi1>, vector<16xf32>
          %parallel_loop3A_509 = vector.broadcast %parallel_loop3A_446 : i32 to vector<16xi32>
          %parallel_loop3A_510 = arith.select %parallel_loop3A_507, %parallel_loop3A_509, %parallel_loop3A_444 : vector<16xi1>, vector<16xi32>
          %parallel_loop3A_511 = arith.constant 3 : i32
          %parallel_loop3A_512 = arith.addi %parallel_loop3A_310, %parallel_loop3A_511 : i32
          %parallel_loop3A_513 = arith.constant 16 : i32
          %parallel_loop3A_514 = arith.muli %parallel_loop3A_512, %parallel_loop3A_513 : i32
          %parallel_loop3A_515 = arith.index_cast %parallel_loop3A_514 : i32 to index
          %parallel_loop3A_516 = tpu.vector_load %arg8[%parallel_loop3A_515] {strides = array<i32>} : memref<20096xf32, #tpu.memory_space<vmem>>, vector<16xf32>,
          %parallel_loop3A_517 = vector.shape_cast %parallel_loop3A_516 : vector<16xf32> to vector<16xf32>
          %parallel_loop3A_518 = arith.index_cast %parallel_loop3A_514 : i32 to index
          %parallel_loop3A_519 = tpu.vector_load %arg9[%parallel_loop3A_518] {strides = array<i32>} : memref<20096xf32, #tpu.memory_space<vmem>>, vector<16xf32>,
          %parallel_loop3A_520 = vector.shape_cast %parallel_loop3A_519 : vector<16xf32> to vector<16xf32>
          %parallel_loop3A_521 = arith.index_cast %parallel_loop3A_514 : i32 to index
          %parallel_loop3A_522 = tpu.vector_load %arg10[%parallel_loop3A_521] {strides = array<i32>} : memref<20096xf32, #tpu.memory_space<vmem>>, vector<16xf32>,
          %parallel_loop3A_523 = vector.shape_cast %parallel_loop3A_522 : vector<16xf32> to vector<16xf32>
          %parallel_loop3A_524 = arith.index_cast %parallel_loop3A_514 : i32 to index
          %parallel_loop3A_525 = tpu.vector_load %arg11[%parallel_loop3A_524] {strides = array<i32>} : memref<20096xf32, #tpu.memory_space<vmem>>, vector<16xf32>,
          %parallel_loop3A_526 = vector.shape_cast %parallel_loop3A_525 : vector<16xf32> to vector<16xf32>
          %parallel_loop3A_527 = arith.index_cast %parallel_loop3A_514 : i32 to index
          %parallel_loop3A_528 = tpu.vector_load %arg12[%parallel_loop3A_527] {strides = array<i32>} : memref<20096xf32, #tpu.memory_space<vmem>>, vector<16xf32>,
          %parallel_loop3A_529 = vector.shape_cast %parallel_loop3A_528 : vector<16xf32> to vector<16xf32>
          %parallel_loop3A_530 = arith.subf %parallel_loop3A_526, %parallel_loop3A_520 : vector<16xf32>
          %parallel_loop3A_531 = arith.subf %parallel_loop3A_529, %parallel_loop3A_523 : vector<16xf32>
          %parallel_loop3A_532 = arith.mulf %parallel_loop3A_530, %parallel_loop3A_531 : vector<16xf32>
          %parallel_loop3A_533 = arith.maximumf %gather3A_171, %parallel_loop3A_520 : vector<16xf32>
          %parallel_loop3A_534 = arith.maximumf %gather3A_184, %parallel_loop3A_523 : vector<16xf32>
          %parallel_loop3A_535 = arith.minimumf %gather3A_197, %parallel_loop3A_526 : vector<16xf32>
          %parallel_loop3A_536 = arith.minimumf %gather3A_210, %parallel_loop3A_529 : vector<16xf32>
          %parallel_loop3A_537 = arith.subf %parallel_loop3A_535, %parallel_loop3A_533 : vector<16xf32>
          %parallel_loop3A_538 = arith.constant 0.000000e+00 : f32
          %parallel_loop3A_539 = vector.broadcast %parallel_loop3A_538 : f32 to vector<16xf32>
          %parallel_loop3A_540 = arith.maximumf %parallel_loop3A_537, %parallel_loop3A_539 : vector<16xf32>
          %parallel_loop3A_541 = arith.subf %parallel_loop3A_536, %parallel_loop3A_534 : vector<16xf32>
          %parallel_loop3A_542 = arith.constant 0.000000e+00 : f32
          %parallel_loop3A_543 = vector.broadcast %parallel_loop3A_542 : f32 to vector<16xf32>
          %parallel_loop3A_544 = arith.maximumf %parallel_loop3A_541, %parallel_loop3A_543 : vector<16xf32>
          %parallel_loop3A_545 = arith.mulf %parallel_loop3A_540, %parallel_loop3A_544 : vector<16xf32>
          %parallel_loop3A_546 = arith.addf %mul3A_213, %parallel_loop3A_532 : vector<16xf32>
          %parallel_loop3A_547 = arith.subf %parallel_loop3A_546, %parallel_loop3A_545 : vector<16xf32>
          %parallel_loop3A_548 = arith.constant 9.99999971E-10 : f32
          %parallel_loop3A_549 = vector.broadcast %parallel_loop3A_548 : f32 to vector<16xf32>
          %parallel_loop3A_550 = arith.addf %parallel_loop3A_547, %parallel_loop3A_549 : vector<16xf32>
          %parallel_loop3A_551 = arith.constant 1.000000e+00 : f32
          %parallel_loop3A_552 = vector.broadcast %parallel_loop3A_551 : f32 to vector<16xf32>
          %parallel_loop3A_553 = arith.divf %parallel_loop3A_552, %parallel_loop3A_550 : vector<16xf32>
          %parallel_loop3A_554 = arith.mulf %parallel_loop3A_550, %parallel_loop3A_553 : vector<16xf32>
          %parallel_loop3A_555 = arith.constant 2.000000e+00 : f32
          %parallel_loop3A_556 = vector.broadcast %parallel_loop3A_555 : f32 to vector<16xf32>
          %parallel_loop3A_557 = arith.subf %parallel_loop3A_556, %parallel_loop3A_554 : vector<16xf32>
          %parallel_loop3A_558 = arith.mulf %parallel_loop3A_553, %parallel_loop3A_557 : vector<16xf32>
          %parallel_loop3A_559 = arith.mulf %parallel_loop3A_545, %parallel_loop3A_558 : vector<16xf32>
          %parallel_loop3A_560 = arith.constant 4.500000e-01 : f32
          %parallel_loop3A_561 = vector.broadcast %parallel_loop3A_560 : f32 to vector<16xf32>
          %parallel_loop3A_562 = arith.cmpf ogt, %parallel_loop3A_559, %parallel_loop3A_561 : vector<16xf32>
          %parallel_loop3A_563 = arith.select %parallel_loop3A_562, %broadcast_in_dim3A_4, %parallel_loop3A_517 : vector<16xi1>, vector<16xf32>
          %parallel_loop3A_564 = arith.index_cast %parallel_loop3A_514 : i32 to index
          %parallel_loop3A_565 = tpu.vector_load %arg8[%parallel_loop3A_564] {strides = array<i32>} : memref<20096xf32, #tpu.memory_space<vmem>>, vector<16xf32>,
          %parallel_loop3A_566 = vector.shape_cast %parallel_loop3A_565 : vector<16xf32> to vector<16xf32>
          %parallel_loop3A_567 = vector.shape_cast %parallel_loop3A_563 : vector<16xf32> to vector<16xf32>
          tpu.vector_store %arg8[%parallel_loop3A_564], %parallel_loop3A_567 {strides = array<i32>} : memref<20096xf32, #tpu.memory_space<vmem>>, vector<16xf32>,
          %parallel_loop3A_568 = arith.cmpf ogt, %parallel_loop3A_563, %parallel_loop3A_508 : vector<16xf32>
          %parallel_loop3A_569 = arith.cmpf oeq, %parallel_loop3A_563, %parallel_loop3A_508 : vector<16xf32>
          %parallel_loop3A_570 = vector.broadcast %parallel_loop3A_512 : i32 to vector<16xi32>
          %parallel_loop3A_571 = arith.cmpi slt, %parallel_loop3A_570, %parallel_loop3A_510 : vector<16xi32>
          %parallel_loop3A_572 = arith.andi %parallel_loop3A_569, %parallel_loop3A_571 : vector<16xi1>
          %parallel_loop3A_573 = arith.ori %parallel_loop3A_568, %parallel_loop3A_572 : vector<16xi1>
          %parallel_loop3A_574 = arith.select %parallel_loop3A_573, %parallel_loop3A_563, %parallel_loop3A_508 : vector<16xi1>, vector<16xf32>
          %parallel_loop3A_575 = vector.broadcast %parallel_loop3A_512 : i32 to vector<16xi32>
          %parallel_loop3A_576 = arith.select %parallel_loop3A_573, %parallel_loop3A_575, %parallel_loop3A_510 : vector<16xi1>, vector<16xi32>
          scf.yield %parallel_loop3A_574, %parallel_loop3A_576 : vector<16xf32>, vector<16xi32>
        } {sc.loop_unroll_factor = 2 : i64, sc.parallel_access}
        scf.yield %parallel_loop3A_309#0, %parallel_loop3A_309#1 : vector<16xf32>, vector<16xi32>
      }
      %scan3A_14 = arith.constant 100 : i32
      "tpu.region"() ({
        %run_scoped3A = tpu.sem_alloc : memref<!tpu.dma_semaphore, #tpu.memory_space<semaphore_mem>>
        %dma_start3A = arith.constant 0 : i32
        %dma_start3A_15 = tpu.memref_slice %arg7[%add3A, %dma_start3A] : memref<16x1600xf32, #tpu.memory_space<hbm>> -> memref<1x1600xf32, #tpu.memory_space<hbm>>
        %dma_start3A_16 = tpu.memref_squeeze %dma_start3A_15 : memref<1x1600xf32, #tpu.memory_space<hbm>> -> memref<1600xf32, #tpu.memory_space<hbm>>
        %dma_start3A_17 = arith.constant 0 : i32
        %dma_start3A_18 = tpu.memref_slice %arg7[%add3A, %dma_start3A_17] : memref<16x1600xf32, #tpu.memory_space<hbm>> -> memref<1x1600xf32, #tpu.memory_space<hbm>>
        %dma_start3A_19 = tpu.memref_squeeze %dma_start3A_18 : memref<1x1600xf32, #tpu.memory_space<hbm>> -> memref<1600xf32, #tpu.memory_space<hbm>>
        tpu.enqueue_dma source(%arg13 : memref<1600xf32, #tpu.memory_space<vmem>>) target(%dma_start3A_19 : memref<1600xf32, #tpu.memory_space<hbm>>) target_semaphore(%run_scoped3A : memref<!tpu.dma_semaphore, #tpu.memory_space<semaphore_mem>>)
        %dma_wait3A = arith.constant 0 : i32
        %dma_wait3A_20 = tpu.memref_slice %arg7[%add3A, %dma_wait3A] : memref<16x1600xf32, #tpu.memory_space<hbm>> -> memref<1x1600xf32, #tpu.memory_space<hbm>>
        %dma_wait3A_21 = tpu.memref_squeeze %dma_wait3A_20 : memref<1x1600xf32, #tpu.memory_space<hbm>> -> memref<1600xf32, #tpu.memory_space<hbm>>
        %dma_wait3A_22 = arith.constant 0 : i32
        %dma_wait3A_23 = tpu.memref_slice %arg7[%add3A, %dma_wait3A_22] : memref<16x1600xf32, #tpu.memory_space<hbm>> -> memref<1x1600xf32, #tpu.memory_space<hbm>>
        %dma_wait3A_24 = tpu.memref_squeeze %dma_wait3A_23 : memref<1x1600xf32, #tpu.memory_space<hbm>> -> memref<1600xf32, #tpu.memory_space<hbm>>
        tpu.wait_dma2 semaphore(%run_scoped3A : memref<!tpu.dma_semaphore, #tpu.memory_space<semaphore_mem>>) src(%arg13 : memref<1600xf32, #tpu.memory_space<vmem>>) dst(%dma_wait3A_24 : memref<1600xf32, #tpu.memory_space<hbm>>)
        tpu.yield
      }) : () -> ()
    } else {
    }
    return
  }
}

module attributes {stable_mosaic.version = 14 : i64} {
  func.func @_preproc_kernel(%arg0: i32, %arg1: memref<1x85x157x128xf32, #tpu.memory_space<vmem>>, %arg2: memref<1x157x128xf32, #tpu.memory_space<vmem>>, %arg3: memref<1x157x128xf32, #tpu.memory_space<vmem>>, %arg4: memref<1x157x128xf32, #tpu.memory_space<vmem>>, %arg5: memref<1x157x128xf32, #tpu.memory_space<vmem>>, %arg6: memref<1x157x128xf32, #tpu.memory_space<vmem>>) attributes {dimension_semantics = [#tpu.dimension_semantics<arbitrary>], iteration_bounds = array<i64: 16>, scalar_prefetch = 0 : i64, scratch_operands = 0 : i64, tpu.core_type = #tpu.core_type<tc>, window_params = [{transform_indices = @transform_0, window_bounds = array<i64: 1, 85, 157, 128>}, {transform_indices = @transform_1, window_bounds = array<i64: 1, 157, 128>}, {transform_indices = @transform_2, window_bounds = array<i64: 1, 157, 128>}, {transform_indices = @transform_3, window_bounds = array<i64: 1, 157, 128>}, {transform_indices = @transform_4, window_bounds = array<i64: 1, 157, 128>}, {transform_indices = @transform_5, window_bounds = array<i64: 1, 157, 128>}]} {
    %get3A = arith.constant 0 : index
    %get3A_0 = arith.constant 0 : index
    %get3A_1 = arith.constant 0 : index
    %get3A_2 = arith.constant 0 : index
    %get3A_3 = vector.load %arg1[%get3A, %get3A_0, %get3A_1, %get3A_2] : memref<1x85x157x128xf32, #tpu.memory_space<vmem>>, vector<1x1x157x128xf32>
    %get3A_4 = vector.shape_cast %get3A_3 : vector<1x1x157x128xf32> to vector<157x128xf32>
    %get3A_5 = arith.constant 0 : index
    %get3A_6 = arith.constant 1 : index
    %get3A_7 = arith.constant 0 : index
    %get3A_8 = arith.constant 0 : index
    %get3A_9 = vector.load %arg1[%get3A_5, %get3A_6, %get3A_7, %get3A_8] : memref<1x85x157x128xf32, #tpu.memory_space<vmem>>, vector<1x1x157x128xf32>
    %get3A_10 = vector.shape_cast %get3A_9 : vector<1x1x157x128xf32> to vector<157x128xf32>
    %get3A_11 = arith.constant 0 : index
    %get3A_12 = arith.constant 2 : index
    %get3A_13 = arith.constant 0 : index
    %get3A_14 = arith.constant 0 : index
    %get3A_15 = vector.load %arg1[%get3A_11, %get3A_12, %get3A_13, %get3A_14] : memref<1x85x157x128xf32, #tpu.memory_space<vmem>>, vector<1x1x157x128xf32>
    %get3A_16 = vector.shape_cast %get3A_15 : vector<1x1x157x128xf32> to vector<157x128xf32>
    %get3A_17 = arith.constant 0 : index
    %get3A_18 = arith.constant 3 : index
    %get3A_19 = arith.constant 0 : index
    %get3A_20 = arith.constant 0 : index
    %get3A_21 = vector.load %arg1[%get3A_17, %get3A_18, %get3A_19, %get3A_20] : memref<1x85x157x128xf32, #tpu.memory_space<vmem>>, vector<1x1x157x128xf32>
    %get3A_22 = vector.shape_cast %get3A_21 : vector<1x1x157x128xf32> to vector<157x128xf32>
    %get3A_23 = arith.constant 0 : index
    %get3A_24 = arith.constant 4 : index
    %get3A_25 = arith.constant 0 : index
    %get3A_26 = arith.constant 0 : index
    %get3A_27 = vector.load %arg1[%get3A_23, %get3A_24, %get3A_25, %get3A_26] : memref<1x85x157x128xf32, #tpu.memory_space<vmem>>, vector<1x1x157x128xf32>
    %get3A_28 = vector.shape_cast %get3A_27 : vector<1x1x157x128xf32> to vector<157x128xf32>
    %convert_element_type3A = arith.truncf %get3A_4 : vector<157x128xf32> to vector<157x128xbf16>
    %convert_element_type3A_29 = arith.extf %convert_element_type3A : vector<157x128xbf16> to vector<157x128xf32>
    %convert_element_type3A_30 = arith.truncf %get3A_10 : vector<157x128xf32> to vector<157x128xbf16>
    %convert_element_type3A_31 = arith.extf %convert_element_type3A_30 : vector<157x128xbf16> to vector<157x128xf32>
    %convert_element_type3A_32 = arith.truncf %get3A_16 : vector<157x128xf32> to vector<157x128xbf16>
    %convert_element_type3A_33 = arith.extf %convert_element_type3A_32 : vector<157x128xbf16> to vector<157x128xf32>
    %convert_element_type3A_34 = arith.truncf %get3A_22 : vector<157x128xf32> to vector<157x128xbf16>
    %convert_element_type3A_35 = arith.extf %convert_element_type3A_34 : vector<157x128xbf16> to vector<157x128xf32>
    %mul3A = arith.constant 5.000000e-01 : f32
    %mul3A_36 = vector.broadcast %mul3A : f32 to vector<157x128xf32>
    %mul3A_37 = arith.mulf %mul3A_36, %convert_element_type3A_33 : vector<157x128xf32>
    %sub3A = arith.subf %convert_element_type3A_29, %mul3A_37 : vector<157x128xf32>
    %mul3A_38 = arith.constant 5.000000e-01 : f32
    %mul3A_39 = vector.broadcast %mul3A_38 : f32 to vector<157x128xf32>
    %mul3A_40 = arith.mulf %mul3A_39, %convert_element_type3A_35 : vector<157x128xf32>
    %sub3A_41 = arith.subf %convert_element_type3A_31, %mul3A_40 : vector<157x128xf32>
    %mul3A_42 = arith.constant 5.000000e-01 : f32
    %mul3A_43 = vector.broadcast %mul3A_42 : f32 to vector<157x128xf32>
    %mul3A_44 = arith.mulf %mul3A_43, %convert_element_type3A_33 : vector<157x128xf32>
    %add3A = arith.addf %convert_element_type3A_29, %mul3A_44 : vector<157x128xf32>
    %mul3A_45 = arith.constant 5.000000e-01 : f32
    %mul3A_46 = vector.broadcast %mul3A_45 : f32 to vector<157x128xf32>
    %mul3A_47 = arith.mulf %mul3A_46, %convert_element_type3A_35 : vector<157x128xf32>
    %add3A_48 = arith.addf %convert_element_type3A_31, %mul3A_47 : vector<157x128xf32>
    %get3A_49 = arith.constant 0 : index
    %get3A_50 = arith.constant 5 : index
    %get3A_51 = arith.constant 0 : index
    %get3A_52 = arith.constant 0 : index
    %get3A_53 = vector.load %arg1[%get3A_49, %get3A_50, %get3A_51, %get3A_52] : memref<1x85x157x128xf32, #tpu.memory_space<vmem>>, vector<1x1x157x128xf32>
    %get3A_54 = vector.shape_cast %get3A_53 : vector<1x1x157x128xf32> to vector<157x128xf32>
    %mul3A_55 = arith.mulf %get3A_54, %get3A_28 : vector<157x128xf32>
    %broadcast_in_dim3A = arith.constant 0 : i32
    %broadcast_in_dim3A_56 = vector.broadcast %broadcast_in_dim3A : i32 to vector<157x128xi32>
    %scan3A = arith.constant 1 : i32
    %scan3A_57 = arith.constant 79 : i32
    %scan3A_58 = arith.addi %scan3A, %scan3A_57 : i32
    %scan3A_59 = arith.constant 1 : i32
    %scan3A_60:2 = scf.for %scan3A_111 = %scan3A to %scan3A_58 step %scan3A_59 iter_args(%scan3A_112 = %mul3A_55, %scan3A_113 = %broadcast_in_dim3A_56) -> (vector<157x128xf32>, vector<157x128xi32>)  : i32 {
      %add3A_114 = arith.constant 5 : i32
      %add3A_115 = arith.addi %add3A_114, %scan3A_111 : i32
      %get3A_116 = arith.constant 0 : index
      %get3A_117 = arith.index_cast %add3A_115 : i32 to index
      %get3A_118 = arith.constant 0 : index
      %get3A_119 = arith.constant 0 : index
      %get3A_120 = vector.load %arg1[%get3A_116, %get3A_117, %get3A_118, %get3A_119] : memref<1x85x157x128xf32, #tpu.memory_space<vmem>>, vector<1x1x157x128xf32>
      %get3A_121 = vector.shape_cast %get3A_120 : vector<1x1x157x128xf32> to vector<157x128xf32>
      %mul3A_122 = arith.mulf %get3A_121, %get3A_28 : vector<157x128xf32>
      %gt3A_123 = arith.cmpf ogt, %mul3A_122, %scan3A_112 : vector<157x128xf32>
      %broadcast_in_dim3A_124 = vector.broadcast %scan3A_111 : i32 to vector<157x128xi32>
      %select_n3A_125 = arith.select %gt3A_123, %broadcast_in_dim3A_124, %scan3A_113 : vector<157x128xi1>, vector<157x128xi32>
      %max3A = arith.maximumf %scan3A_112, %mul3A_122 : vector<157x128xf32>
      scf.yield %max3A, %select_n3A_125 : vector<157x128xf32>, vector<157x128xi32>
    }
    %scan3A_61 = arith.constant 79 : i32
    %convert_element_type3A_62 = arith.sitofp %scan3A_60#1 : vector<157x128xi32> to vector<157x128xf32>
    %mul3A_63 = arith.constant 6.400000e+02 : f32
    %mul3A_64 = vector.broadcast %mul3A_63 : f32 to vector<157x128xf32>
    %mul3A_65 = arith.mulf %convert_element_type3A_62, %mul3A_64 : vector<157x128xf32>
    %add3A_66 = arith.addf %sub3A, %mul3A_65 : vector<157x128xf32>
    %mul3A_67 = arith.constant 6.400000e+02 : f32
    %mul3A_68 = vector.broadcast %mul3A_67 : f32 to vector<157x128xf32>
    %mul3A_69 = arith.mulf %convert_element_type3A_62, %mul3A_68 : vector<157x128xf32>
    %add3A_70 = arith.addf %sub3A_41, %mul3A_69 : vector<157x128xf32>
    %mul3A_71 = arith.constant 6.400000e+02 : f32
    %mul3A_72 = vector.broadcast %mul3A_71 : f32 to vector<157x128xf32>
    %mul3A_73 = arith.mulf %convert_element_type3A_62, %mul3A_72 : vector<157x128xf32>
    %add3A_74 = arith.addf %add3A, %mul3A_73 : vector<157x128xf32>
    %mul3A_75 = arith.constant 6.400000e+02 : f32
    %mul3A_76 = vector.broadcast %mul3A_75 : f32 to vector<157x128xf32>
    %mul3A_77 = arith.mulf %convert_element_type3A_62, %mul3A_76 : vector<157x128xf32>
    %add3A_78 = arith.addf %add3A_48, %mul3A_77 : vector<157x128xf32>
    %gt3A = arith.constant 2.500000e-01 : f32
    %gt3A_79 = vector.broadcast %gt3A : f32 to vector<157x128xf32>
    %gt3A_80 = arith.cmpf ogt, %scan3A_60#0, %gt3A_79 : vector<157x128xf32>
    %jit3A = arith.constant 0xFF800000 : f32
    %broadcast_in_dim3A_81 = vector.broadcast %jit3A : f32 to vector<157x128xf32>
    %select_n3A = arith.select %gt3A_80, %scan3A_60#0, %broadcast_in_dim3A_81 : vector<157x128xi1>, vector<157x128xf32>
    %swap3A = arith.constant 0 : index
    %swap3A_82 = arith.constant 0 : index
    %swap3A_83 = arith.constant 0 : index
    %swap3A_84 = vector.load %arg2[%swap3A, %swap3A_82, %swap3A_83] : memref<1x157x128xf32, #tpu.memory_space<vmem>>, vector<1x157x128xf32>
    %swap3A_85 = vector.shape_cast %swap3A_84 : vector<1x157x128xf32> to vector<157x128xf32>
    %swap3A_86 = vector.shape_cast %select_n3A : vector<157x128xf32> to vector<1x157x128xf32>
    tpu.vector_store %arg2[%swap3A, %swap3A_82, %swap3A_83], %swap3A_86 {strides = array<i32>} : memref<1x157x128xf32, #tpu.memory_space<vmem>>, vector<1x157x128xf32>,
    %swap3A_87 = arith.constant 0 : index
    %swap3A_88 = arith.constant 0 : index
    %swap3A_89 = arith.constant 0 : index
    %swap3A_90 = vector.load %arg3[%swap3A_87, %swap3A_88, %swap3A_89] : memref<1x157x128xf32, #tpu.memory_space<vmem>>, vector<1x157x128xf32>
    %swap3A_91 = vector.shape_cast %swap3A_90 : vector<1x157x128xf32> to vector<157x128xf32>
    %swap3A_92 = vector.shape_cast %add3A_66 : vector<157x128xf32> to vector<1x157x128xf32>
    tpu.vector_store %arg3[%swap3A_87, %swap3A_88, %swap3A_89], %swap3A_92 {strides = array<i32>} : memref<1x157x128xf32, #tpu.memory_space<vmem>>, vector<1x157x128xf32>,
    %swap3A_93 = arith.constant 0 : index
    %swap3A_94 = arith.constant 0 : index
    %swap3A_95 = arith.constant 0 : index
    %swap3A_96 = vector.load %arg4[%swap3A_93, %swap3A_94, %swap3A_95] : memref<1x157x128xf32, #tpu.memory_space<vmem>>, vector<1x157x128xf32>
    %swap3A_97 = vector.shape_cast %swap3A_96 : vector<1x157x128xf32> to vector<157x128xf32>
    %swap3A_98 = vector.shape_cast %add3A_70 : vector<157x128xf32> to vector<1x157x128xf32>
    tpu.vector_store %arg4[%swap3A_93, %swap3A_94, %swap3A_95], %swap3A_98 {strides = array<i32>} : memref<1x157x128xf32, #tpu.memory_space<vmem>>, vector<1x157x128xf32>,
    %swap3A_99 = arith.constant 0 : index
    %swap3A_100 = arith.constant 0 : index
    %swap3A_101 = arith.constant 0 : index
    %swap3A_102 = vector.load %arg5[%swap3A_99, %swap3A_100, %swap3A_101] : memref<1x157x128xf32, #tpu.memory_space<vmem>>, vector<1x157x128xf32>
    %swap3A_103 = vector.shape_cast %swap3A_102 : vector<1x157x128xf32> to vector<157x128xf32>
    %swap3A_104 = vector.shape_cast %add3A_74 : vector<157x128xf32> to vector<1x157x128xf32>
    tpu.vector_store %arg5[%swap3A_99, %swap3A_100, %swap3A_101], %swap3A_104 {strides = array<i32>} : memref<1x157x128xf32, #tpu.memory_space<vmem>>, vector<1x157x128xf32>,
    %swap3A_105 = arith.constant 0 : index
    %swap3A_106 = arith.constant 0 : index
    %swap3A_107 = arith.constant 0 : index
    %swap3A_108 = vector.load %arg6[%swap3A_105, %swap3A_106, %swap3A_107] : memref<1x157x128xf32, #tpu.memory_space<vmem>>, vector<1x157x128xf32>
    %swap3A_109 = vector.shape_cast %swap3A_108 : vector<1x157x128xf32> to vector<157x128xf32>
    %swap3A_110 = vector.shape_cast %add3A_78 : vector<157x128xf32> to vector<1x157x128xf32>
    tpu.vector_store %arg6[%swap3A_105, %swap3A_106, %swap3A_107], %swap3A_110 {strides = array<i32>} : memref<1x157x128xf32, #tpu.memory_space<vmem>>, vector<1x157x128xf32>,
    return
  }
  func.func @transform_0(%arg0: i32) -> (i32, i32, i32, i32) {
    %c0_i32 = arith.constant 0 : i32
    %c0_i32_0 = arith.constant 0 : i32
    %c0_i32_1 = arith.constant 0 : i32
    %c0_i32_2 = arith.constant 0 : i32
    return %arg0, %c0_i32, %c0_i32_0, %c0_i32_1 : i32, i32, i32, i32
  }
  func.func @transform_1(%arg0: i32) -> (i32, i32, i32) {
    %c0_i32 = arith.constant 0 : i32
    %c0_i32_0 = arith.constant 0 : i32
    %c0_i32_1 = arith.constant 0 : i32
    return %arg0, %c0_i32, %c0_i32_0 : i32, i32, i32
  }
  func.func @transform_2(%arg0: i32) -> (i32, i32, i32) {
    %c0_i32 = arith.constant 0 : i32
    %c0_i32_0 = arith.constant 0 : i32
    %c0_i32_1 = arith.constant 0 : i32
    return %arg0, %c0_i32, %c0_i32_0 : i32, i32, i32
  }
  func.func @transform_3(%arg0: i32) -> (i32, i32, i32) {
    %c0_i32 = arith.constant 0 : i32
    %c0_i32_0 = arith.constant 0 : i32
    %c0_i32_1 = arith.constant 0 : i32
    return %arg0, %c0_i32, %c0_i32_0 : i32, i32, i32
  }
  func.func @transform_4(%arg0: i32) -> (i32, i32, i32) {
    %c0_i32 = arith.constant 0 : i32
    %c0_i32_0 = arith.constant 0 : i32
    %c0_i32_1 = arith.constant 0 : i32
    return %arg0, %c0_i32, %c0_i32_0 : i32, i32, i32
  }
  func.func @transform_5(%arg0: i32) -> (i32, i32, i32) {
    %c0_i32 = arith.constant 0 : i32
    %c0_i32_0 = arith.constant 0 : i32
    %c0_i32_1 = arith.constant 0 : i32
    return %arg0, %c0_i32, %c0_i32_0 : i32, i32, i32
  }
}

</mosaic_0001>

<sc_bundles>
// kernel: kernel.4.cloned.1.call-start
scs
__scs_entry_jumppad:
0x0: {  	(pc) =	sbr.rel $0x88, $3  }
0x1: {  	(tag) =	ssettag $0x0;
	lr =	simm.s32 $0x1  }
0x2: {  	[smem:$0x3FA0] =	sst lr;
	_ =	strace $0xD0000000  }
0x3: {  	_ = 	snop  }
0x4: {  	_ = 	snop  }
0x5: {  	_ = 	snop  }
0x6: {  	_ = 	snop  }
0x7: {  	_ = 	snop  }
__scs_overlays_trampoline_lowered:
0x8: {  	[smem:$0x3FAF] =	sst s0  }
0x9: {  	[smem:$0x3FB0] =	sst s1  }
0xa: {  	[smem:$0x3FB1] =	sst s2  }
0xb: {  	[smem:$0x3FB2] =	sst s3  }
0xc: {  	[smem:$0x3FB3] =	sst s4  }
0xd: {  	[smem:$0x3FB4] =	sst s5  }
0xe: {  	[smem:$0x3FB5] =	sst s6  }
0xf: {  	[smem:$0x3FB6] =	sst s7  }
0x10: {  	[smem:$0x3FB7] =	sst s8  }
0x11: {  	[smem:$0x3FB8] =	sst s9;
	s0 =	simm.s32 @!p0 $0x0  }
0x12: {  	s1 =	sld [smem:$0x3F9E];
	s0 =	simm.s32 @p0 $0x1  }
0x13: {  	[smem:$0x3FB9] =	sst s0;
	s0 =	simm.s32 @!p1 $0x0  }
0x14: {  	s2 =	sld [smem:$0x3F9D];
	s0 =	simm.s32 @p1 $0x1  }
0x15: {  	[smem:$0x3FBA] =	sst s0;
	s0 =	simm.s32 @!p2 $0x0  }
0x16: {  	s3 =	sld [smem:$0x3FDB];
	s0 =	simm.s32 @p2 $0x1  }
0x17: {  	s4 =	simm.s32 $0x1BF5;
	[smem:$0x3FBC] =	sst s0  }
0x18: {  	s0 =	sld [smem:$0x3F9F];
	_ =	swait.ge [sflag:s4], $0x0  }
0x19: {  	s7 =	sld [smem:$0x3FA0]  }
0x1a: {  	s8 =	sadd.s32 $0xFFFFE003, lr  }
0x1b: {  	s9 =	sadd.s32 $0xFFFFFEF7, lr;
	s5 =	simm.s32 $0xFFFFFFFF;
	p2 =	slt.u32 s8, $0xFFFFF086  }
0x1c: {  	p1 =	slt.u32 s9, $0xF7A;
	s5 =	simm.s32 @!p2 $0x0  }
0x1d: {  	s5 =	simm.s32 @p1 $0x1;
	p0 =	seq.s32 s7, s2  }
0x1e: {  	s7 =	smul.u32 @!p0 $0xF7A, s2;
	p2 =	seq.s32 @!p0 s5, $0x0  }
0x1f: {  	s9 =	smul.u32 $0xF7A, s1;
	s8 =	simm.s32 @!p0 $0x1BF5;
	p2 =	por !p2, p0  }
0x20: {  	[sflag:s8] =	ssyncset.s32 @!p0 $0xFFFFF086;
	s6 =	sadd.s32 @!p0 s3, s7;
	s7 =	simm.s32 @!p0 $0x108  }
0x21: {  	s3 =	sadd.s32 s3, s9;
	s6 =	sadd.s32 @!p0 $0x88, s6;
	s7 =	simm.s32 @p2 $0x1082  }
0x22: {  	[simem:s7], [sflag:s8] =	dma.local @!p0 [hbm:s6], $0xF7A  }
0x23: {  	s9 =	sor.u32 $0xD0000000, s2;
	s6 =	simm.s32 $0x108;
	_ =	swait.ge @!p0 [sflag:s8], $0x0  }
0x24: {  	s3 =	sadd.s32 $0x88, s3;
	s6 =	simm.s32 @!p1 $0x1082;
	[sflag:s4] =	ssyncset.s32 $0xFFFFF086  }
0x25: {  	[simem:s6], [sflag:s4] =	dma.local [hbm:s3], $0xF7A  }
0x26: {  	[smem:$0x3FA0] =	sst s1;
	(tag) =	ssettag s2;
	_ =	strace s9  }
0x27: {  	s1 =	sld [smem:$0x3FB0]  }
0x28: {  	s2 =	sld [smem:$0x3FB1]  }
0x29: {  	s4 =	sld [smem:$0x3FB3]  }
0x2a: {  	p0 =	seq.s32 s5, $0x0;
	s5 =	sld [smem:$0x3FB4]  }
0x2b: {  	s6 =	sld [smem:$0x3FB5]  }
0x2c: {  	s7 =	sld [smem:$0x3FB6]  }
0x2d: {  	s3 =	simm.s32 $0x108;
	s8 =	sld [smem:$0x3FB7]  }
0x2e: {  	s3 =	simm.s32 @!p0 $0x1082;
	s9 =	sld [smem:$0x3FB8]  }
0x2f: {  	lr =	sadd.s32 s0, s3;
	s0 =	sld [smem:$0x3FAF]  }
0x30: {  	s3 =	sld [smem:$0x3FB2]  }
0x31: {  	[smem:$0x3FBB] =	sst s10  }
0x32: {  	s10 =	sld [smem:$0x3FB9];
	_ =	sdelay $0x3  }
0x33: {  	p0 =	seq.s32 s10, $0x1;
	s10 =	sld [smem:$0x3FBB];
	_ =	sdelay $0x3  }
0x34: {  	[smem:$0x3FBB] =	sst s10  }
0x35: {  	s10 =	sld [smem:$0x3FBA];
	_ =	sdelay $0x3  }
0x36: {  	p1 =	seq.s32 s10, $0x1;
	s10 =	sld [smem:$0x3FBB];
	_ =	sdelay $0x3  }
0x37: {  	[smem:$0x3FBB] =	sst s10  }
0x38: {  	s10 =	sld [smem:$0x3FBC]  }
0x39: {  	_ = 	snop;
	(pc) =	sbr.ind lr, $3  }
0x3a: {  	_ = 	snop  }
0x3b: {  	_ = 	snop  }
0x3c: {  	p2 =	seq.s32 s10, $0x1;
	s10 =	sld [smem:$0x3FBB]  }
0x3d: {  	_ =	shalt  }
0x3e: {  	_ =	shalt  }
0x3f: {  	_ =	shalt  }
0x40: {  	_ =	shalt  }
0x41: {  	_ =	shalt  }
0x42: {  	_ =	shalt  }
0x43: {  	_ =	shalt  }
0x44: {  	_ =	shalt  }
0x45: {  	_ =	shalt  }
0x46: {  	_ =	shalt  }
0x47: {  	_ =	shalt  }
0x48: {  	_ =	shalt  }
0x49: {  	_ =	shalt  }
0x4a: {  	_ =	shalt  }
0x4b: {  	_ =	shalt  }
0x4c: {  	_ =	shalt  }
0x4d: {  	_ =	shalt  }
0x4e: {  	_ =	shalt  }
0x4f: {  	_ =	shalt  }
0x50: {  	_ =	shalt  }
0x51: {  	_ =	shalt  }
0x52: {  	_ =	shalt  }
0x53: {  	_ =	shalt  }
0x54: {  	_ =	shalt  }
0x55: {  	_ =	shalt  }
0x56: {  	_ =	shalt  }
0x57: {  	_ =	shalt  }
0x58: {  	_ =	shalt  }
0x59: {  	_ =	shalt  }
0x5a: {  	_ =	shalt  }
0x5b: {  	_ =	shalt  }
0x5c: {  	_ =	shalt  }
0x5d: {  	_ =	shalt  }
0x5e: {  	_ =	shalt  }
0x5f: {  	_ =	shalt  }
0x60: {  	_ =	shalt  }
0x61: {  	_ =	shalt  }
0x62: {  	_ =	shalt  }
0x63: {  	_ =	shalt  }
0x64: {  	_ =	shalt  }
0x65: {  	_ =	shalt  }
0x66: {  	_ =	shalt  }
0x67: {  	_ =	shalt  }
0x68: {  	_ =	shalt  }
0x69: {  	_ =	shalt  }
0x6a: {  	_ =	shalt  }
0x6b: {  	_ =	shalt  }
0x6c: {  	_ =	shalt  }
0x6d: {  	_ =	shalt  }
0x6e: {  	_ =	shalt  }
0x6f: {  	_ =	shalt  }
0x70: {  	_ =	shalt  }
0x71: {  	_ =	shalt  }
0x72: {  	_ =	shalt  }
0x73: {  	_ =	shalt  }
0x74: {  	_ =	shalt  }
0x75: {  	_ =	shalt  }
0x76: {  	_ =	shalt  }
0x77: {  	_ =	shalt  }
0x78: {  	_ =	shalt  }
0x79: {  	_ =	shalt  }
0x7a: {  	_ =	shalt  }
0x7b: {  	_ =	shalt  }
0x7c: {  	_ =	shalt  }
0x7d: {  	_ =	shalt  }
0x7e: {  	_ =	shalt  }
0x7f: {  	_ =	shalt  }
0x80: {  	_ =	shalt  }
0x81: {  	_ =	shalt  }
0x82: {  	_ =	shalt  }
0x83: {  	_ =	shalt  }
0x84: {  	_ =	shalt  }
0x85: {  	_ =	shalt  }
0x86: {  	_ =	shalt  }
0x87: {  	_ =	shalt  }
.Lfunc_end0:
.L_simem_size_0:
called_computation_lowered:
.L_overlay_start_0:
0x88: {  	s2 =	sld [smem:$0x3FD9]  }
0x89: {  	s3 =	sld [smem:$0x3FFE];
	_ =	sdelay $0x1  }
0x8a: {  	s1 =	srdreg.scid  }
0x8b: {  	s0 =	sand.u32 $0x1, s1  }
0x8c: {  	s16 =	sshll.u32 s0, $0xA;
	s2 =	sadd.s32 s3, s2  }
0x8d: {  	s2 =	sadd.s32 s2, s16  }
0x8e: {  	[smem:$0x3FC7] =	sst s2  }
0x8f: {  	_ = 	snop  }
0x90: {  	(tm) =	ssettm $0x1  }
0x91: {  	s17 =	sld [smem:$0x3FFB];
	_ =	sdelay $0x3  }
0x92: {  	_ =	strace s17  }
0x93: {  	s2 =	sld [smem:$0x3FFC];
	_ =	sdelay $0x3  }
0x94: {  	_ =	strace s2  }
0x95: {  	s2 =	sld [smem:$0x3FFD];
	_ =	sdelay $0x3  }
0x96: {  	_ =	strace s2  }
0x97: {  	_ =	strace $0x8FFFFFFF  }
0x98: {  	s18 =	sld [smem:$0x3FDB];
	_ =	sdelay $0x1  }
0x99: {  	s19 =	simm.s32 $_scs_section_size  }
0x9a: {  	s4 =	simm.s32 $_size__tile_overlayer_lowered;
	s5 =	simm.s32 $_tile_overlayer_lowered  }
0x9b: {  	s22 =	simm.s32 $0x1BFF;
	s21 =	sshll.u32 s5, $0x1;
	s2 =	sadd.s32 s19, s18  }
0x9c: {  	s6 =	simm.s32 $0x0;
	s20 =	sshll.u32 s4, $0x1;
	s4 =	sadd.s32 s21, s2  }
0x9d: {  	[timem:s6], [sflag:s22] =	dma.local [hbm:s4], s20  }
0x9e: {  	_ =	swait.ge [sflag:s22], s20  }
0x9f: {  	s3 =	ssub.s32 $0x0, s20;
	[sflag:s22] =	ssyncset.done $0x0  }
0xa0: {  	[sflag:s22] =	ssyncadd.s32 s3;
	_ =	sdelay $0x1  }
0xa1: {  	s23 =	simm.s32 $0x1B8B  }
0xa2: {  	_ =	swait.ge [sflag:s23], $0x1  }
0xa3: {  	[sflag:s23] =	ssyncset.done $0x0  }
0xa4: {  	s25 =	simm.s32 $0x1B8E;
	s24 =	sld [smem:$0x3FFE];
	[sflag:s23] =	ssyncadd.s32 $0xFFFFFFFF  }
0xa5: {  	s26 =	simm.s32 $execute0_lowered;
	[smem:$0x3FD2] =	sst s25  }
0xa6: {  	s4 =	sshll.u32 s26, $0x1;
	_ =	strace $0x80000046;
	[dreg:$0x1] =	wrdreg $0xFFFFFFFF  }
0xa7: {  	s28 =	simm.s32 $_size_execute0_lowered;
	s2 =	sadd.s32 s2, s4;
	[dreg:$0x0] =	wrdreg $0x0  }
0xa8: {  	s4 =	sshll.u32 s28, $0x1;
	[dreg:$0x2] =	wrdreg s2  }
0xa9: {  	[dreg:$0x3] =	wrdreg s4  }
0xaa: {  	[dreg:$0x4] =	wrdreg $0xC0  }
0xab: {  	_ =	task [dreg:s6], $0x5FFFF  }
0xac: {  	[dreg:$0x1] =	wrdreg $0xFFFFFFFF  }
0xad: {  	[dreg:$0x0] =	wrdreg $0x60  }
0xae: {  	[dreg:$0x2] =	wrdreg s24  }
0xaf: {  	[dreg:$0x3] =	wrdreg $0x9  }
0xb0: {  	_ =	task.clear_ibuf [dreg:s6], $0x4FFFF;
	_ =	strace $0x90000046  }
0xb1: {  	s29 =	simm.s32 $0x9;
	_ =	strace $0x80000048  }
0xb2: {  	_ =	swait.ge [sflag:s29], $0x1  }
0xb3: {  	[sflag:s29] =	ssyncadd.s32 $0xFFFFFFFF  }
0xb4: {  	_ =	strace $0x90000048  }
0xb5: {  	_ =	sfence  }
0xb6: {  	s30 =	sld [smem:$0x0];
	_ =	sdelay $0x2  }
0xb7: {  	s31 =	sshll.u32 s1, $0xD;
	s1 =	sshrl.u32 s1, $0x2  }
0xb8: {  	s3 =	sand.u32 $0x4000, s31;
	s1 =	sadd.s32 s1, s30  }
0xb9: {  	s0 =	sor.u32 s3, s0;
	s1 =	sshll.u32 s1, $0x11  }
0xba: {  	s0 =	sor.u32 s1, s0  }
0xbb: {  	s0 =	sadd.s32 $0x8F2B, s0  }
0xbc: {  	[sflag:s0] =	ssyncadd.remote.s32 $0x1  }
0xbd: {  	_ =	sfence.sel $0xFFFF  }
0xbe: {  	[dreg:$0x0] =	wrdreg $0xFFFFFFFF;
	(pc) =	sbr.abs _section_cstart, $3  }
0xbf: {  	[dreg:$0x1] =	wrdreg $0xFFFFFFFF  }
0xc0: {  	_ =	task.clear_ibuf [dreg:s6], $0x2FFFF;
	_ =	strace $0x9FFFFFFF  }
0xc1: {  	(tm) =	ssettm $0x7FFFFFFF  }
tec
execute0_lowered:
.L_overlay_start_1:
0x0: {  	(tag) =	ssettag $0x1  }
0x1: {  	s3 =	rddreg [dreg:$0x0];
	s1 =	simm.s32 $0x0  }
0x2: {  	[smem:$0x7FF] =	sst s1  }
0x3: {  	s0 =	rddreg [dreg:$0x1];
	v0 =	vimm.f32 $6.400000000e+02;
	_ =	strace $0x80000047  }
0x4: {  	(erf) = vrcp.f32 v0;
	_ =	sdelay $0x2  }
0x5: {  	s2 =	stileid.u32  }
0x6: {  	p0 =	sgt.u32 s2, $0x7  }
.Ltmp0:
0x7: {  	_ = 	snop;
	(pc) =	sbr.rel @p0 .LBB2_9-.Ltmp0, $2  }
0x8: {  	_ =	sdelay $0x2  }
0x9: {  	v0 =	vpop (erf)  }
0xa: {  	v1 =	vimm.s32 $0xEFCDAB89  }
0xb: {  	v2 =	vimm.s32 $0x67452301;
	v3 =	vimm.s32 $0xDCFE98BA;
	v4 =	vimm.s32 $0x54761032  }
0xc: {  	s4 =	srdreg.scid;
	s30 =	sshll.u32 s2, $0x1;
	v5 =	vimm.s32 $0xBA98FEDC;
	v6 =	vimm.s32 $0x32107654;
	v7 =	vimm.s32 $0xFEDCBA98  }
0xd: {  	s5 =	sshrl.u32 s2, $0x2;
	s9 =	sadd.s32 $0xA00, s3;
	v8 =	vimm.s32 $0x76543210;
	s13 =	simm.s32 $0x1;
	vm0 =	vcmask $0x1B18;
	vm1 =	vcmask $0x3F18  }
0xe: {  	s14 =	simm.s32 $0x4E80;
	s15 =	simm.s32 $0x9D00;
	vm2 =	vcmask $0x3F14;
	vm3 =	vcmask $0x3F10;
	v1 =	vunpack.c.l.s4.s8 v1;
	s6 =	sand.u32 $0x1, s4  }
0xf: {  	s16 =	simm.s32 $0xEB80;
	v2 =	vunpack.c.l.s4.s8 v2;
	s7 =	smul.u32 $0x27400, s5;
	v3 =	vunpack.c.l.s4.s8 v3;
	v4 =	vunpack.c.l.s4.s8 v4;
	s4 =	sor.u32 s6, s30  }
0x10: {  	s17 =	simm.s32 $0x13A00;
	s5 =	smul.u32 $0x3400, s5;
	v5 =	vunpack.c.l.s4.s8 v5;
	v6 =	vunpack.c.l.s4.s8 v6;
	v7 =	vunpack.c.l.s4.s8 v7;
	s8 =	sshll.u32 s4, $0x7  }
0x11: {  	s18 =	simm.s32 $0x18880;
	s11 =	ssub.s32 $0x2, s6;
	v1 =	vunpack.c.0.s8.s32 v1;
	v2 =	vunpack.c.0.s8.s32 v2;
	v3 =	vunpack.c.0.s8.s32 v3;
	s8 =	sand.u32 $0x380, s8  }
0x12: {  	v4 =	vunpack.c.0.s8.s32 v4;
	v5 =	vunpack.c.0.s8.s32 v5;
	v6 =	vunpack.c.0.s8.s32 v6;
	s12 =	sshrl.u32 s11, $0x1;
	s7 =	sor.u32 s7, s8;
	s5 =	sor.u32 s5, s8  }
0x13: {  	vm4 =	vcmask $0x3F0C;
	s11 =	ssub.s32 s11, s12;
	v1 =	vcombine.low v2, v1;
	v2 =	vunpack.c.l.s4.s8 v8;
	s10 =	sshrl.u32 s7, $0x3;
	s5 =	sshrl.u32 s5, $0x3  }
0x14: {  	s12 =	simm.s32 $0x400;
	v3 =	vcombine.low v4, v3;
	v4 =	vcombine.low v6, v5;
	v5 =	vunpack.c.0.s8.s32 v7;
	s7 =	sadd.s32 s10, s3;
	s31 =	sadd.s32 s5, s3  }
0x15: {  	vm5 =	vcmask $0x3F08;
	s3 =	scvt.s32.f32 s4;
	v1 =	vand.u32 $0xF, v1;
	v6 =	vunpack.c.0.s8.s32 v2;
	s9 =	sadd.s32 s9, s10;
	s10 =	smax.u32 s11, $0x1  }
0x16: {  	v2 =	vand.u32 $0xF, v3;
	v3 =	vand.u32 $0xF, v4;
	v4 =	vand.u32 $0xF, v5;
	s11 =	simm.s32 $0x80;
	s4 =	sadd.s32 $0x14600, s7;
	s5 =	sadd.s32 $0xA800, s7  }
0x17: {  	v5 =	vlaneseq.u32;
	s6 =	sadd.s32 $0x28200, s7;
	s7 =	sadd.s32 $0x1E400, s7;
	s8 =	sadd.s32 $0x32000, s31;
	v4 =	vcombine.low v4, v6;
	v6 =	vimm.f32 $0.0e+00  }
.LBB2_2:
0x18: {  	s19 =	simm.s32 $0x0  }
0x19: {  	[tilespmem:s19], [sflag:$0x1] =	stream.strided.gather [hbm4b:s9+s11], $0x4E80, s12, s11, $0x38;
	[tilespmem:$0x18F00] =	vst v63  }
0x1a: {  	_ =	swait.ge [sflag:s13], $0x4E80  }
0x1b: {  	[sflag:s13] =	ssyncset.done $0x0  }
0x1c: {  	[sflag:s13] =	ssyncadd.s32 $0xFFFFB180  }
0x1d: {  	[tilespmem:s14], [sflag:$0x1] =	stream.strided.gather [hbm4b:s4+s11], $0x4E80, s12, s11, $0x38;
	[tilespmem:$0x18F00] =	vst v63  }
0x1e: {  	_ =	swait.ge [sflag:s13], $0x4E80  }
0x1f: {  	[sflag:s13] =	ssyncset.done $0x0  }
0x20: {  	[sflag:s13] =	ssyncadd.s32 $0xFFFFB180  }
0x21: {  	[tilespmem:s15], [sflag:$0x1] =	stream.strided.gather [hbm4b:s5+s11], $0x4E80, s12, s11, $0x38;
	[tilespmem:$0x18F00] =	vst v63  }
0x22: {  	_ =	swait.ge [sflag:s13], $0x4E80  }
0x23: {  	[sflag:s13] =	ssyncset.done $0x0  }
0x24: {  	[sflag:s13] =	ssyncadd.s32 $0xFFFFB180  }
0x25: {  	[tilespmem:s16], [sflag:$0x1] =	stream.strided.gather [hbm4b:s6+s11], $0x4E80, s12, s11, $0x38;
	[tilespmem:$0x18F00] =	vst v63  }
0x26: {  	_ =	swait.ge [sflag:s13], $0x4E80  }
0x27: {  	[sflag:s13] =	ssyncset.done $0x0  }
0x28: {  	[sflag:s13] =	ssyncadd.s32 $0xFFFFB180  }
0x29: {  	[tilespmem:s17], [sflag:$0x1] =	stream.strided.gather [hbm4b:s7+s11], $0x4E80, s12, s11, $0x38;
	[tilespmem:$0x18F00] =	vst v63  }
0x2a: {  	_ =	swait.ge [sflag:s13], $0x4E80  }
0x2b: {  	[sflag:s13] =	ssyncset.done $0x0  }
0x2c: {  	[sflag:s13] =	ssyncadd.s32 $0xFFFFB180  }
0x2d: {  	v9 =	vld [tilespmem:s19+$0x0];
	_ =	sdelay $0x3  }
0x2e: {  	v7 =	vimm.f32 $-Inf;
	v8 =	vimm.s32 $0x40000000;
	v10 =	vmov s19  }
0x2f: {  	s21 =	simm.s32 $0x1;
	s22 =	simm.s32 $0x10;
	s20 =	simm.s32 $0x0;
	vm7 =	vlt.s32 v10, v8;
	vm6 =	veq.f32 v9, v7  }
.LBB2_3:
0x30: {  	v10 =	vld [tilespmem:s22+$0x0];
	p0 =	sne.s32 s21, $0x4E7;
	vm8 =	vgt.f32 v9, v7;
	vm6 =	vmand vm7, vm6;
	s23 =	smov.u32 s21;
	s21 =	sadd.s32 $0x1, s21  }
.Ltmp1:
0x31: {  	vm6 =	vmor vm8, vm6;
	(pc) =	sbr.rel @p0 .LBB2_3-.Ltmp1, $3  }
0x32: {  	v7 =	vsel vm6, v9, v7;
	v8 =	vsel vm6, s20, v8;
	s20 =	smov.u32 s23;
	_ =	sdelay $0x1  }
0x33: {  	v11 =	vmov s20  }
0x34: {  	s22 =	sadd.s32 $0x10, s22;
	vm7 =	vlt.s32 v11, v8;
	vm6 =	veq.f32 v10, v7;
	v9 =	vmov v10  }
0x35: {  	vm8 =	vgt.f32 v9, v7;
	vm6 =	vmand vm7, vm6  }
0x36: {  	vm6 =	vmor vm8, vm6  }
0x37: {  	v7 =	vsel vm6, v9, v7;
	v8 =	vsel vm6, s20, v8  }
.LBB2_5:
0x38: {  	v9 =	vperm.xlane v7, v1;
	_ =	sdelay $0x1  }
0x39: {  	v9 =	vmax.f32 v7, v9  }
0x3a: {  	v10 =	vperm.xlane v9, v2;
	_ =	sdelay $0x1  }
0x3b: {  	v9 =	vmax.f32 v9, v10  }
0x3c: {  	v10 =	vperm.xlane v9, v3;
	_ =	sdelay $0x1  }
0x3d: {  	v9 =	vmax.f32 v9, v10  }
0x3e: {  	v10 =	vperm.xlane v9, v4;
	_ =	sdelay $0x1  }
0x3f: {  	v9 =	vmax.f32 v9, v10  }
0x40: {  	v10 =	vbroadcast v9, $0x0  }
0x41: {  	v8 =	vshll.u32 v8, $0x4  }
0x42: {  	vm6 =	veq.f32 v7, v10;
	v7 =	vor.u32 v5, v8  }
0x43: {  	v7 =	vnsel vm6, $0x40000000, v7  }
0x44: {  	v8 =	vperm.xlane v7, v1;
	_ =	sdelay $0x1  }
0x45: {  	vm6 =	vlt.s32 v7, v8  }
0x46: {  	v7 =	vsel vm6, v7, v8  }
0x47: {  	v8 =	vperm.xlane v7, v2;
	_ =	sdelay $0x1  }
0x48: {  	vm6 =	vlt.s32 v7, v8  }
0x49: {  	v7 =	vsel vm6, v7, v8  }
0x4a: {  	v8 =	vperm.xlane v7, v3;
	_ =	sdelay $0x1  }
0x4b: {  	vm6 =	vlt.s32 v7, v8  }
0x4c: {  	v7 =	vsel vm6, v7, v8  }
0x4d: {  	v8 =	vperm.xlane v7, v4;
	_ =	sdelay $0x1  }
0x4e: {  	vm6 =	vlt.s32 v7, v8  }
0x4f: {  	(v2sf) =	vpush v9, $0x0;
	v7 =	vsel vm6, v7, v8  }
0x50: {  	(v2sf) =	vpush v7, $0x0;
	_ =	sdelay $0xd  }
0x51: {  	s20 =	spop (v2sf)  }
0x52: {  	s21 =	spop (v2sf)  }
0x53: {  	s22 =	sand.u32 $0xF, s21  }
0x54: {  	s23 =	sshra.s32 s21, $0x1F;
	p0 =	slt.s32 s21, $0x1;
	p1 =	sne.s32 s22, $0x0  }
0x55: {  	s23 =	sshrl.u32 s23, $0x1C;
	p0 =	por !p0, !p1  }
0x56: {  	s21 =	sadd.s32 s23, s21;
	s23 =	simm.s32 $0x1;
	p0 =	por !p0, !p0  }
0x57: {  	s21 =	sshrl.u32 s21, $0x4;
	s23 =	simm.s32 @!p0 $0x0  }
0x58: {  	s21 =	ssub.s32 s21, s23  }
0x59: {  	s21 =	sshll.u32 s21, $0x4  }
0x5a: {  	v7 =	vld [tilespmem:s21+$0x4E80];
	_ =	sdelay $0x3  }
0x5b: {  	v11 =	vmov s22  }
0x5c: {  	v7 =	vperm.xlane v7, v11;
	_ =	sdelay $0x1  }
0x5d: {  	v8 =	vadd.f32 $5.000000000e-01, v7;
	_ =	sdelay $0x1  }
0x5e: {  	v8 =	vmul.f32 v8, v0;
	_ =	sdelay $0x1  }
0x5f: {  	v8 =	vtrunc.f32 v8  }
0x60: {  	v8 =	vcvt.f32.s32 v8;
	_ =	sdelay $0x1  }
0x61: {  	v8 =	vcvt.s32.f32 v8;
	_ =	sdelay $0x1  }
0x62: {  	v9 =	vmul.f32 $6.400000000e+02, v8;
	_ =	sdelay $0x1  }
0x63: {  	v9 =	vsub.f32 v7, v9;
	_ =	sdelay $0x1  }
0x64: {  	v10 =	vld [tilespmem:s21+$0x13A00];
	vm6 =	vgt.f32 v9, $3.200000000e+02  }
0x65: {  	v12 =	vld [tilespmem:s21+$0xEB80];
	vm7 =	vlt.f32 v9, $-3.200000000e+02;
	v9 =	vsel vm6, $0x3F800000, v6  }
0x66: {  	v13 =	vld [tilespmem:s21+$0x9D00];
	v9 =	vsel vm7, $0xBF800000, v9  }
0x67: {  	p0 =	sgt.f32 s20, $-Inf;
	v14 =	vadd.f32 v8, v9;
	_ =	sdelay $0x1  }
0x68: {  	s20 =	simm.s32 @!p0 $0x0;
	v8 =	vperm.xlane v10, v11;
	v15 =	vmul.f32 $6.400000000e+02, v14  }
0x69: {  	v9 =	vperm.xlane v12, v11;
	v12 =	vmov s20  }
0x6a: {  	v10 =	vperm.xlane v13, v11;
	v12 =	vnsel vm0, $0x0, v12;
	v13 =	vsub.f32 v8, v15  }
0x6b: {  	v12 =	vsel vm1, v12, v14;
	v16 =	vsub.f32 v9, v15  }
0x6c: {  	v14 =	vsub.f32 v10, v15;
	v12 =	vsel vm2, v12, v13  }
0x6d: {  	v13 =	vsub.f32 v7, v15;
	v12 =	vsel vm3, v12, v16  }
0x6e: {  	v12 =	vsel vm4, v12, v14  }
0x6f: {  	vm6 =	veq.s32 v5, $0x0;
	s20 =	simm.f32 $1.000000000e+00;
	v12 =	vsel vm5, v12, v13  }
0x70: {  	s20 =	simm.s32 @!p0 $0x0;
	v12 =	vsel vm6, s3, v12  }
0x71: {  	s31 =	sshll.u32 s19, $0x4;
	v12 =	vmul.f32 s20, v12  }
0x72: {  	s20 =	sand.u32 $0x3FFFFFF0, s31  }
0x73: {  	[tilespmem:s20+$0x18880] =	vst v12  }
0x74: {  	v12 =	vld [tilespmem:s21+$0x0];
	_ =	sdelay $0x3  }
0x75: {  	vm6 =	veq.s32 v11, v5  }
0x76: {  	v11 =	vsel vm6, $0xFF800000, v12  }
0x77: {  	s20 =	simm.s32 $0xEBA0;
	[tilespmem:s21+$0x0] =	vst v11  }
0x78: {  	s24 =	simm.s32 $0x13A20;
	v11 =	vld [tilespmem:s20+$0xFFFFFFE0]  }
0x79: {  	s21 =	simm.s32 $0x9D20;
	v12 =	vld [tilespmem:s24+$0xFFFFFFE0]  }
0x7a: {  	s22 =	simm.s32 $0x4EA0;
	v13 =	vld [tilespmem:s21+$0xFFFFFFE0]  }
0x7b: {  	v14 =	vld [tilespmem:s22+$0xFFFFFFE0];
	_ =	sdelay $0x2  }
0x7c: {  	v15 =	vsub.f32 v9, v7;
	v16 =	vsub.f32 v8, v10  }
0x7d: {  	v17 =	vmin.f32 v9, v11;
	v18 =	vsub.f32 v12, v13;
	v13 =	vmax.f32 v10, v13  }
0x7e: {  	v12 =	vmin.f32 v8, v12;
	v19 =	vsub.f32 v11, v14;
	v11 =	vmax.f32 v7, v14  }
0x7f: {  	v12 =	vsub.f32 v12, v13;
	v13 =	vsub.f32 v17, v11  }
0x80: {  	v11 =	vmul.f32 v16, v15;
	v14 =	vmul.f32 v18, v19  }
0x81: {  	v13 =	vmax.f32 v13, $0.0e+00;
	v12 =	vmax.f32 v12, $0.0e+00  }
0x82: {  	v12 =	vmul.f32 v12, v13;
	v13 =	vadd.f32 v14, v11;
	_ =	sdelay $0x1  }
0x83: {  	v13 =	vsub.f32 v13, v12;
	_ =	sdelay $0x1  }
0x84: {  	v13 =	vadd.f32 $9.999999710e-10, v13;
	_ =	sdelay $0x1  }
0x85: {  	(erf) = vrcp.f32 v13;
	_ =	sdelay $0x8  }
0x86: {  	v14 =	vpop (erf)  }
0x87: {  	v13 =	vmul.f32 v14, v13;
	_ =	sdelay $0x1  }
0x88: {  	v13 =	vsub.f32 $2.000000000e+00, v13  }
0x89: {  	s23 =	simm.s32 $0x20  }
0x8a: {  	v15 =	vld [tilespmem:s23+$0xFFFFFFE0];
	v13 =	vmul.f32 v13, v14;
	_ =	sdelay $0x1  }
0x8b: {  	v12 =	vmul.f32 v13, v12;
	_ =	sdelay $0x1  }
0x8c: {  	vm6 =	vgt.f32 v12, $4.499999880e-01  }
0x8d: {  	v14 =	vsel vm6, $0xFF800000, v15  }
0x8e: {  	[tilespmem:s23+$0xFFFFFFE0] =	vst v14  }
0x8f: {  	v13 =	vld [tilespmem:s24+$0xFFFFFFF0]  }
0x90: {  	v15 =	vld [tilespmem:s20+$0xFFFFFFF0]  }
0x91: {  	v16 =	vld [tilespmem:s22+$0xFFFFFFF0]  }
0x92: {  	v17 =	vld [tilespmem:s21+$0xFFFFFFF0];
	_ =	sdelay $0x3  }
0x93: {  	v18 =	vmin.f32 v8, v13;
	v19 =	vmin.f32 v9, v15;
	v15 =	vsub.f32 v15, v16  }
0x94: {  	v16 =	vmax.f32 v7, v16;
	v13 =	vsub.f32 v13, v17;
	v17 =	vmax.f32 v10, v17  }
0x95: {  	v16 =	vsub.f32 v19, v16;
	v17 =	vsub.f32 v18, v17  }
0x96: {  	v13 =	vmul.f32 v13, v15  }
0x97: {  	v15 =	vmax.f32 v16, $0.0e+00;
	v16 =	vmax.f32 v17, $0.0e+00  }
0x98: {  	v15 =	vmul.f32 v16, v15;
	v13 =	vadd.f32 v13, v11;
	_ =	sdelay $0x1  }
0x99: {  	v13 =	vsub.f32 v13, v15;
	_ =	sdelay $0x1  }
0x9a: {  	v13 =	vadd.f32 $9.999999710e-10, v13;
	_ =	sdelay $0x1  }
0x9b: {  	(erf) = vrcp.f32 v13;
	_ =	sdelay $0x8  }
0x9c: {  	v16 =	vpop (erf)  }
0x9d: {  	v13 =	vmul.f32 v16, v13;
	_ =	sdelay $0x1  }
0x9e: {  	v13 =	vsub.f32 $2.000000000e+00, v13;
	_ =	sdelay $0x1  }
0x9f: {  	v17 =	vld [tilespmem:s23+$0xFFFFFFF0];
	v13 =	vmul.f32 v13, v16;
	_ =	sdelay $0x1  }
0xa0: {  	v13 =	vmul.f32 v13, v15;
	_ =	sdelay $0x1  }
0xa1: {  	vm6 =	vgt.f32 v13, $4.499999880e-01  }
0xa2: {  	v15 =	vsel vm6, $0xFF800000, v17  }
0xa3: {  	[tilespmem:s23+$0xFFFFFFF0] =	vst v15  }
0xa4: {  	v13 =	vld [tilespmem:s20+$0x0]  }
0xa5: {  	v16 =	vld [tilespmem:s21+$0x0]  }
0xa6: {  	v17 =	vld [tilespmem:s24+$0x0]  }
0xa7: {  	v18 =	vld [tilespmem:s22+$0x0];
	_ =	sdelay $0x3  }
0xa8: {  	v19 =	vmax.f32 v10, v16;
	v16 =	vsub.f32 v17, v16;
	v20 =	vmin.f32 v9, v13  }
0xa9: {  	v17 =	vmin.f32 v8, v17;
	v13 =	vsub.f32 v13, v18;
	v18 =	vmax.f32 v7, v18  }
0xaa: {  	v17 =	vsub.f32 v17, v19;
	v18 =	vsub.f32 v20, v18  }
0xab: {  	v13 =	vmul.f32 v16, v13  }
0xac: {  	v16 =	vmax.f32 v18, $0.0e+00;
	v17 =	vmax.f32 v17, $0.0e+00  }
0xad: {  	v16 =	vmul.f32 v17, v16;
	v13 =	vadd.f32 v13, v11;
	_ =	sdelay $0x1  }
0xae: {  	v13 =	vsub.f32 v13, v16;
	_ =	sdelay $0x1  }
0xaf: {  	v13 =	vadd.f32 $9.999999710e-10, v13;
	_ =	sdelay $0x1  }
0xb0: {  	(erf) = vrcp.f32 v13;
	_ =	sdelay $0x8  }
0xb1: {  	v17 =	vpop (erf)  }
0xb2: {  	v13 =	vmul.f32 v17, v13;
	_ =	sdelay $0x1  }
0xb3: {  	v13 =	vsub.f32 $2.000000000e+00, v13;
	_ =	sdelay $0x1  }
0xb4: {  	v18 =	vld [tilespmem:s23+$0x0];
	v13 =	vmul.f32 v13, v17;
	_ =	sdelay $0x1  }
0xb5: {  	v13 =	vmul.f32 v13, v16;
	_ =	sdelay $0x1  }
0xb6: {  	vm6 =	vgt.f32 v13, $4.499999880e-01  }
0xb7: {  	v13 =	vsel vm6, $0xFF800000, v18  }
0xb8: {  	[tilespmem:s23+$0x0] =	vst v13  }
0xb9: {  	v16 =	vld [tilespmem:s22+$0x10]  }
0xba: {  	v17 =	vld [tilespmem:s24+$0x10]  }
0xbb: {  	v18 =	vld [tilespmem:s21+$0x10]  }
0xbc: {  	v19 =	vld [tilespmem:s20+$0x10];
	_ =	sdelay $0x3  }
0xbd: {  	v20 =	vmin.f32 v8, v17;
	v17 =	vsub.f32 v17, v18;
	v21 =	vmax.f32 v7, v16  }
0xbe: {  	v16 =	vsub.f32 v19, v16;
	v18 =	vmax.f32 v10, v18;
	v19 =	vmin.f32 v9, v19  }
0xbf: {  	v19 =	vsub.f32 v19, v21;
	v18 =	vsub.f32 v20, v18  }
0xc0: {  	v17 =	vmul.f32 v17, v16  }
0xc1: {  	v16 =	vmax.f32 v19, $0.0e+00;
	v18 =	vmax.f32 v18, $0.0e+00  }
0xc2: {  	v16 =	vmul.f32 v18, v16;
	v17 =	vadd.f32 v17, v11;
	_ =	sdelay $0x1  }
0xc3: {  	v17 =	vsub.f32 v17, v16;
	_ =	sdelay $0x1  }
0xc4: {  	v18 =	vadd.f32 $9.999999710e-10, v17;
	_ =	sdelay $0x1  }
0xc5: {  	s24 =	simm.s32 $0x0;
	(erf) = vrcp.f32 v18  }
0xc6: {  	v20 =	vmov s24;
	v19 =	vimm.f32 $-Inf;
	v17 =	vimm.s32 $0x40000000  }
0xc7: {  	vm6 =	veq.f32 v14, v19;
	vm7 =	vlt.s32 v20, v17  }
0xc8: {  	vm8 =	vgt.f32 v14, v19;
	vm6 =	vmand vm7, vm6  }
0xc9: {  	s25 =	simm.s32 $0x1;
	vm6 =	vmor vm8, vm6  }
0xca: {  	v14 =	vsel vm6, v14, v19;
	v17 =	vsel vm6, s24, v17;
	v19 =	vmov s25  }
0xcb: {  	vm6 =	veq.f32 v15, v14;
	vm7 =	vlt.s32 v19, v17  }
0xcc: {  	vm8 =	vgt.f32 v15, v14;
	vm6 =	vmand vm7, vm6  }
0xcd: {  	s26 =	simm.s32 $0x2;
	vm6 =	vmor vm8, vm6  }
0xce: {  	v19 =	vsel vm6, s25, v17;
	v14 =	vsel vm6, v15, v14;
	v15 =	vmov s26;
	v17 =	vpop (erf)  }
0xcf: {  	vm6 =	veq.f32 v13, v14;
	vm7 =	vlt.s32 v15, v19;
	v18 =	vmul.f32 v17, v18  }
0xd0: {  	vm8 =	vgt.f32 v13, v14;
	vm6 =	vmand vm7, vm6  }
0xd1: {  	vm6 =	vmor vm8, vm6;
	v18 =	vsub.f32 $2.000000000e+00, v18  }
0xd2: {  	s28 =	simm.s32 $0x60;
	v12 =	vld [tilespmem:s23+$0x10];
	s25 =	simm.s32 $0x4;
	v15 =	vsel vm6, s26, v19;
	s26 =	simm.s32 $0x13A60  }
.LBB2_6:
0xd3: {  	v17 =	vmul.f32 v18, v17;
	s22 =	sadd.s32 $0x40, s22;
	s21 =	sadd.s32 $0x40, s21;
	s20 =	sadd.s32 $0x40, s20  }
0xd4: {  	p0 =	slt.u32 s25, $0x4E4;
	s29 =	smov.u32 s25;
	s25 =	sadd.s32 $0x4, s25  }
0xd5: {  	v16 =	vmul.f32 v17, v16;
	_ =	sdelay $0x1  }
0xd6: {  	s30 =	sadd.s32 $0x3, s24;
	s24 =	smov.u32 s29;
	vm7 =	vgt.f32 v16, $4.499999880e-01  }
0xd7: {  	v13 =	vsel vm6, v13, v14;
	v14 =	vmov s30;
	v12 =	vsel vm7, $0xFF800000, v12  }
0xd8: {  	vm7 =	vlt.s32 v14, v15;
	[tilespmem:s23+$0x10] =	vst v12;
	vm6 =	veq.f32 v12, v13;
	s23 =	smov.u32 s28  }
0xd9: {  	vm8 =	vgt.f32 v12, v13;
	v16 =	vld [tilespmem:s20+$0xFFFFFFE0];
	vm6 =	vmand vm7, vm6  }
0xda: {  	v17 =	vld [tilespmem:s26+$0xFFFFFFE0];
	vm6 =	vmor vm8, vm6  }
0xdb: {  	v18 =	vld [tilespmem:s21+$0xFFFFFFE0];
	v14 =	vsel vm6, v12, v13;
	v13 =	vsel vm6, s30, v15  }
0xdc: {  	v15 =	vld [tilespmem:s22+$0xFFFFFFE0]  }
0xdd: {  	v12 =	vld [tilespmem:s28+$0x10];
	_ =	sdelay $0x1  }
0xde: {  	v19 =	vmin.f32 v9, v16  }
0xdf: {  	v20 =	vsub.f32 v17, v18;
	v18 =	vmax.f32 v10, v18;
	v17 =	vmin.f32 v8, v17  }
0xe0: {  	v16 =	vsub.f32 v16, v15;
	v15 =	vmax.f32 v7, v15;
	v17 =	vsub.f32 v17, v18  }
0xe1: {  	v15 =	vsub.f32 v19, v15  }
0xe2: {  	v16 =	vmul.f32 v20, v16  }
0xe3: {  	v17 =	vmax.f32 v17, $0.0e+00;
	v15 =	vmax.f32 v15, $0.0e+00  }
0xe4: {  	v15 =	vmul.f32 v17, v15;
	v16 =	vadd.f32 v16, v11;
	_ =	sdelay $0x1  }
0xe5: {  	v16 =	vsub.f32 v16, v15;
	_ =	sdelay $0x1  }
0xe6: {  	v16 =	vadd.f32 $9.999999710e-10, v16;
	_ =	sdelay $0x1  }
0xe7: {  	(erf) = vrcp.f32 v16;
	_ =	sdelay $0x8  }
0xe8: {  	v17 =	vpop (erf)  }
0xe9: {  	v16 =	vmul.f32 v17, v16;
	_ =	sdelay $0x1  }
0xea: {  	v16 =	vsub.f32 $2.000000000e+00, v16;
	_ =	sdelay $0x1  }
0xeb: {  	v18 =	vld [tilespmem:s28+$0xFFFFFFE0];
	v16 =	vmul.f32 v16, v17;
	_ =	sdelay $0x1  }
0xec: {  	v15 =	vmul.f32 v16, v15;
	_ =	sdelay $0x1  }
0xed: {  	vm6 =	vgt.f32 v15, $4.499999880e-01  }
0xee: {  	v16 =	vmov s24;
	v15 =	vsel vm6, $0xFF800000, v18  }
0xef: {  	vm7 =	vlt.s32 v16, v13;
	[tilespmem:s28+$0xFFFFFFE0] =	vst v15;
	vm6 =	veq.f32 v15, v14  }
0xf0: {  	vm8 =	vgt.f32 v15, v14;
	vm6 =	vmand vm7, vm6;
	v16 =	vld [tilespmem:s26+$0xFFFFFFF0]  }
0xf1: {  	vm6 =	vmor vm8, vm6;
	v17 =	vld [tilespmem:s20+$0xFFFFFFF0]  }
0xf2: {  	v18 =	vld [tilespmem:s22+$0xFFFFFFF0]  }
0xf3: {  	v19 =	vld [tilespmem:s21+$0xFFFFFFF0];
	_ =	sdelay $0x1  }
0xf4: {  	v20 =	vmin.f32 v8, v16  }
0xf5: {  	v21 =	vmin.f32 v9, v17  }
0xf6: {  	v17 =	vsub.f32 v17, v18;
	v18 =	vmax.f32 v7, v18  }
0xf7: {  	v16 =	vsub.f32 v16, v19;
	v19 =	vmax.f32 v10, v19;
	v18 =	vsub.f32 v21, v18  }
0xf8: {  	v19 =	vsub.f32 v20, v19  }
0xf9: {  	v16 =	vmul.f32 v16, v17;
	v17 =	vmax.f32 v18, $0.0e+00  }
0xfa: {  	v18 =	vmax.f32 v19, $0.0e+00  }
0xfb: {  	v17 =	vmul.f32 v18, v17;
	v16 =	vadd.f32 v16, v11;
	_ =	sdelay $0x1  }
0xfc: {  	v16 =	vsub.f32 v16, v17;
	_ =	sdelay $0x1  }
0xfd: {  	v16 =	vadd.f32 $9.999999710e-10, v16;
	_ =	sdelay $0x1  }
0xfe: {  	(erf) = vrcp.f32 v16;
	_ =	sdelay $0x8  }
0xff: {  	v18 =	vpop (erf)  }
0x100: {  	v16 =	vmul.f32 v18, v16;
	_ =	sdelay $0x1  }
0x101: {  	v16 =	vsub.f32 $2.000000000e+00, v16;
	_ =	sdelay $0x1  }
0x102: {  	v19 =	vld [tilespmem:s28+$0xFFFFFFF0];
	v16 =	vmul.f32 v16, v18;
	_ =	sdelay $0x1  }
0x103: {  	v16 =	vmul.f32 v16, v17;
	_ =	sdelay $0x1  }
0x104: {  	s29 =	sadd.s32 $0x1, s24;
	v14 =	vsel vm6, v15, v14;
	vm7 =	vgt.f32 v16, $4.499999880e-01  }
0x105: {  	v13 =	vsel vm6, s24, v13;
	v16 =	vmov s29;
	v15 =	vsel vm7, $0xFF800000, v19  }
0x106: {  	vm7 =	vlt.s32 v16, v13;
	[tilespmem:s28+$0xFFFFFFF0] =	vst v15;
	vm6 =	veq.f32 v15, v14  }
0x107: {  	vm8 =	vgt.f32 v15, v14;
	vm6 =	vmand vm7, vm6;
	v16 =	vld [tilespmem:s20+$0x0]  }
0x108: {  	vm6 =	vmor vm8, vm6;
	v17 =	vld [tilespmem:s21+$0x0]  }
0x109: {  	v18 =	vsel vm6, s29, v13;
	v13 =	vld [tilespmem:s26+$0x0]  }
0x10a: {  	v19 =	vld [tilespmem:s22+$0x0];
	_ =	sdelay $0x2  }
0x10b: {  	v20 =	vmax.f32 v10, v17  }
0x10c: {  	v21 =	vmin.f32 v9, v16;
	v17 =	vsub.f32 v13, v17;
	v13 =	vmin.f32 v8, v13  }
0x10d: {  	v16 =	vsub.f32 v16, v19;
	v19 =	vmax.f32 v7, v19;
	v13 =	vsub.f32 v13, v20  }
0x10e: {  	v19 =	vsub.f32 v21, v19  }
0x10f: {  	v16 =	vmul.f32 v17, v16  }
0x110: {  	v13 =	vmax.f32 v13, $0.0e+00;
	v17 =	vmax.f32 v19, $0.0e+00  }
0x111: {  	v13 =	vmul.f32 v13, v17;
	v16 =	vadd.f32 v16, v11;
	_ =	sdelay $0x1  }
0x112: {  	v16 =	vsub.f32 v16, v13;
	_ =	sdelay $0x1  }
0x113: {  	v16 =	vadd.f32 $9.999999710e-10, v16;
	_ =	sdelay $0x1  }
0x114: {  	(erf) = vrcp.f32 v16;
	_ =	sdelay $0x8  }
0x115: {  	v17 =	vpop (erf)  }
0x116: {  	v16 =	vmul.f32 v17, v16;
	_ =	sdelay $0x1  }
0x117: {  	v16 =	vsub.f32 $2.000000000e+00, v16;
	_ =	sdelay $0x1  }
0x118: {  	v19 =	vld [tilespmem:s28+$0x0];
	v16 =	vmul.f32 v16, v17;
	_ =	sdelay $0x1  }
0x119: {  	v13 =	vmul.f32 v16, v13;
	_ =	sdelay $0x1  }
0x11a: {  	s29 =	sadd.s32 $0x2, s24;
	vm7 =	vgt.f32 v13, $4.499999880e-01  }
0x11b: {  	v14 =	vsel vm6, v15, v14;
	v15 =	vmov s29;
	v13 =	vsel vm7, $0xFF800000, v19  }
0x11c: {  	vm7 =	vlt.s32 v15, v18;
	[tilespmem:s28+$0x0] =	vst v13;
	vm6 =	veq.f32 v13, v14  }
0x11d: {  	vm8 =	vgt.f32 v13, v14;
	vm6 =	vmand vm7, vm6;
	v16 =	vld [tilespmem:s22+$0x10]  }
0x11e: {  	vm6 =	vmor vm8, vm6;
	v17 =	vld [tilespmem:s26+$0x10]  }
0x11f: {  	v15 =	vsel vm6, s29, v18;
	v18 =	vld [tilespmem:s21+$0x10]  }
0x120: {  	v19 =	vld [tilespmem:s20+$0x10];
	_ =	sdelay $0x2  }
0x121: {  	v20 =	vmin.f32 v8, v17  }
0x122: {  	v21 =	vmax.f32 v7, v16;
	v17 =	vsub.f32 v17, v18  }
0x123: {  	v18 =	vmax.f32 v10, v18;
	v16 =	vsub.f32 v19, v16;
	v19 =	vmin.f32 v9, v19  }
0x124: {  	v18 =	vsub.f32 v20, v18;
	v19 =	vsub.f32 v19, v21  }
0x125: {  	v17 =	vmul.f32 v17, v16  }
0x126: {  	v18 =	vmax.f32 v18, $0.0e+00;
	v16 =	vmax.f32 v19, $0.0e+00  }
0x127: {  	v16 =	vmul.f32 v18, v16;
	v17 =	vadd.f32 v17, v11;
	_ =	sdelay $0x1  }
0x128: {  	v17 =	vsub.f32 v17, v16;
	_ =	sdelay $0x1  }
0x129: {  	v18 =	vadd.f32 $9.999999710e-10, v17;
	_ =	sdelay $0x1  }
0x12a: {  	(erf) = vrcp.f32 v18;
	_ =	sdelay $0x8  }
.Ltmp2:
0x12b: {  	v17 =	vpop (erf);
	(pc) =	sbr.rel @p0 .LBB2_6-.Ltmp2, $3  }
0x12c: {  	v18 =	vmul.f32 v17, v18;
	_ =	sdelay $0x1  }
0x12d: {  	v18 =	vsub.f32 $2.000000000e+00, v18  }
0x12e: {  	s28 =	sadd.s32 $0x40, s28;
	s26 =	sadd.s32 $0x40, s26  }
0x12f: {  	v7 =	vmul.f32 v18, v17;
	_ =	sdelay $0x1  }
0x130: {  	v7 =	vmul.f32 v7, v16  }
0x131: {  	s19 =	sadd.s32 $0x1, s19  }
0x132: {  	s20 =	sadd.s32 $0x3, s24;
	p0 =	sne.s32 s19, $0x64;
	vm7 =	vgt.f32 v7, $4.499999880e-01  }
.Ltmp3:
0x133: {  	v9 =	vmov s20;
	v7 =	vsel vm6, v13, v14;
	v8 =	vsel vm7, $0xFF800000, v12;
	(pc) =	sbr.rel @p0 .LBB2_5-.Ltmp3, $4  }
0x134: {  	vm7 =	vlt.s32 v9, v15;
	vm6 =	veq.f32 v8, v7  }
0x135: {  	vm8 =	vgt.f32 v8, v7;
	vm6 =	vmand vm7, vm6  }
0x136: {  	vm6 =	vmor vm8, vm6  }
0x137: {  	[tilespmem:s23+$0x10] =	vst v8;
	v7 =	vsel vm6, v8, v7;
	v8 =	vsel vm6, s20, v15  }
0x138: {  	s1 =	sadd.s32 $0x1, s1  }
0x139: {  	p0 =	sne.s32 s1, s10  }
.Ltmp4:
0x13a: {  	_ = 	snop;
	(pc) =	sbr.rel @p0 .LBB2_2-.Ltmp4, $4  }
0x13b: {  	[hbm4b:s8+s11] =	stream.strided.scatter [tilespmem:s18], [sflag:$0x1], $0x680, s12, s11, $0x38;
	[tilespmem:$0x18F00] =	vst v63  }
0x13c: {  	_ =	swait.ge [sflag:s13], $0x680  }
0x13d: {  	[sflag:s13] =	ssyncset.done $0x0  }
0x13e: {  	[sflag:s13] =	ssyncadd.s32 $0xFFFFF980  }
.LBB2_9:
0x13f: {  	_ =	sfence.sel $0x180000  }
0x140: {  	[bflag:$0x0] =	sbarrier.arrive $0xFFFF  }
0x141: {  	p0 =	sne.s32 s2, $0x0;
	_ =	strace $0x90000047  }
0x142: {  	s0 =	sadd.s32 @!p0 $0x100000, s0;
	[bflag:$0x2] =	sbarrier.arrive $0xFFFF  }
0x143: {  	[sflag:s0] =	ssyncadd.tile.s32 @!p0 $0x1;
	_ =	shalt  }
.Lfunc_end2:
_tile_overlayer_lowered:
.L_overlay_start_2:
0x144: {  	(tag) =	ssettag $0x2  }
0x145: {  	s0 =	rddreg [dreg:$0x0];
	s2 =	stileid.u32  }
0x146: {  	s1 =	rddreg [dreg:$0x1];
	p0 =	sne.s32 s2, $0x0  }
0x147: {  	s3 =	rddreg [dreg:$0x2];
	[bflag:$0x3] =	sbarrier.arrive $0xFFFF;
	s2 =	simm.s32 @!p0 $0x1C01  }
0x148: {  	[timem:s3], [sflag:s2] =	dma.local @!p0 [hbm:s0], s1  }
0x149: {  	s0 =	simm.s32 @!p0 $0x1  }
0x14a: {  	_ =	swait.ge @!p0 [sflag:s0], s1  }
0x14b: {  	s1 =	ssub.s32 @!p0 $0x0, s1;
	[sflag:s0] =	ssyncset.done @!p0 $0x0  }
0x14c: {  	[sflag:s0] =	ssyncadd.s32 @!p0 s1  }
0x14d: {  	[bflag:$0x3] =	sbarrier.arrive $0xFFFF  }
0x14e: {  	_ =	shalt  }

</sc_bundles>
